<compile_context>
chip_gen: v7x
topology: tpu7x:2x2x1
jax: 0.10.2.dev20260603
libtpu: 0.0.44.dev20260713+nightly
codegen_flags: <defaults>
</compile_context>

<pallas_src>
import functools

import jax
import jax.numpy as jnp
from jax import lax
from jax.experimental import pallas as pl
from jax.experimental.pallas import tpu as pltpu
from jax.experimental.pallas import tpu_sc as plsc

N_NODES = 10000
E_EDGES = 160000
IN_F = 128
DE_F = 16
H_F = 4
OUT_F = 2
MID_F = 256
K_SEL = 100000
KP = 102400

NC = 2
NS = 16
NW = NC * NS

EPT = E_EDGES // NW
EFULL = EPT // 128
ETAIL = EPT - EFULL * 128
NPAD = 10240
NPT = NPAD // NS

@functools.cache
def _mesh():
    return plsc.VectorSubcoreMesh(core_axis_name="c", subcore_axis_name="s")


def _wid():
    return lax.axis_index("s") * NC + lax.axis_index("c")


def _sc_gather_xsrc(table, idx):
    return pl.kernel(
        _sc_gather_xsrc_body,
        out_type=jax.ShapeDtypeStruct((E_EDGES, IN_F), jnp.float32),
        mesh=_mesh(),
        scratch_types=[
            pltpu.VMEM((EPT,), jnp.int32),
            pltpu.VMEM((128, IN_F), jnp.float32),
            pltpu.VMEM((128, IN_F), jnp.float32),
            pltpu.VMEM((ETAIL,), jnp.int32),
            pltpu.VMEM((ETAIL, IN_F), jnp.float32),
            pltpu.SemaphoreType.DMA,
            pltpu.SemaphoreType.DMA,
        ],
    )(table, idx)


def _sc_gather_xsrc_body(table, idx, out, idx_all, buf0, buf1, idx_t, rows_t,
                         sem0, sem1):
    base = _wid() * EPT
    pltpu.sync_copy(idx.at[pl.ds(base, EPT)], idx_all)
    pltpu.async_copy(table.at[idx_all.at[pl.ds(0, 128)]], buf0, sem0)

    def step(k, carry):
        j0 = 2 * k
        pltpu.async_copy(
            table.at[idx_all.at[pl.ds((j0 + 1) * 128, 128)]], buf1, sem1)
        pltpu.make_async_copy(table.at[idx_all.at[pl.ds(0, 128)]],
                              buf0, sem0).wait()
        pltpu.sync_copy(buf0, out.at[pl.ds(base + j0 * 128, 128)])

        @pl.when(j0 + 2 < EFULL)
        def _():
            pltpu.async_copy(
                table.at[idx_all.at[pl.ds((j0 + 2) * 128, 128)]], buf0, sem0)

        pltpu.make_async_copy(table.at[idx_all.at[pl.ds(0, 128)]],
                              buf1, sem1).wait()
        pltpu.sync_copy(buf1, out.at[pl.ds(base + (j0 + 1) * 128, 128)])
        return carry

    lax.fori_loop(0, EFULL // 2, step, 0)
    j0 = EFULL - 1
    pltpu.make_async_copy(table.at[idx_all.at[pl.ds(0, 128)]],
                          buf0, sem0).wait()
    pltpu.sync_copy(buf0, out.at[pl.ds(base + j0 * 128, 128)])
    off = base + EFULL * 128
    pltpu.sync_copy(idx.at[pl.ds(off, ETAIL)], idx_t)
    pltpu.async_copy(table.at[idx_t], rows_t, sem0).wait()
    pltpu.sync_copy(rows_t, out.at[pl.ds(off, ETAIL)])


def _tc_msg_body(eft_ref, xs_ref, w1_ref, b1_ref, w2p_ref, b2p_ref, out_ref):
    he = jnp.maximum(
        jax.lax.dot_general(eft_ref[...].astype(jnp.bfloat16), w1_ref[...],
                            (((0,), (0,)), ((), ())),
                            preferred_element_type=jnp.float32)
        + b1_ref[...],
        0.0,
    )
    we2 = (
        jnp.dot(he.astype(jnp.bfloat16), w2p_ref[...],
                preferred_element_type=jnp.float32)
        + b2p_ref[...]
    )
    xs = xs_ref[...]
    cols = [
        jnp.sum(xs * we2[:, o * IN_F:(o + 1) * IN_F], axis=1, keepdims=True)
        for o in range(H_F)
    ]
    ones = jnp.ones_like(cols[0])
    zeros = jnp.zeros((xs.shape[0], 8 - H_F - 1), jnp.float32)
    out_ref[...] = jnp.concatenate(cols + [ones, zeros], axis=1)


def _tc_msg(edge_feats_t, x_src, W1, b1, W2p, b2p):
    tile = 3200
    grid = E_EDGES // tile
    return pl.pallas_call(
        _tc_msg_body,
        grid=(grid,),
        in_specs=[
            pl.BlockSpec((DE_F, tile), lambda i: (0, i)),
            pl.BlockSpec((tile, IN_F), lambda i: (i, 0)),
            pl.BlockSpec((DE_F, MID_F), lambda i: (0, 0)),
            pl.BlockSpec((1, MID_F), lambda i: (0, 0)),
            pl.BlockSpec((MID_F, IN_F * H_F), lambda i: (0, 0)),
            pl.BlockSpec((1, IN_F * H_F), lambda i: (0, 0)),
        ],
        out_specs=pl.BlockSpec((tile, 8), lambda i: (i, 0)),
        out_shape=jax.ShapeDtypeStruct((E_EDGES, 8), jnp.float32),
    )(edge_feats_t, x_src, W1.astype(jnp.bfloat16), b1.reshape(1, -1),
      W2p.astype(jnp.bfloat16), b2p.reshape(1, -1))


def _sc_scatter_msg(msgp, dstidx, zrows):
    return pl.kernel(
        _sc_scatter_msg_body,
        out_type=jax.ShapeDtypeStruct((NC, NPAD, 8), jnp.float32),
        mesh=_mesh(),
        scratch_types=[
            pltpu.VMEM((128,), jnp.int32),
            pltpu.VMEM((128, 8), jnp.float32),
            pltpu.VMEM((128,), jnp.int32),
            pltpu.VMEM((128, 8), jnp.float32),
            pltpu.VMEM((ETAIL,), jnp.int32),
            pltpu.VMEM((ETAIL, 8), jnp.float32),
            pltpu.VMEM_SHARED((NPAD, 8), jnp.float32),
            pltpu.SemaphoreType.DMA,
            pltpu.SemaphoreType.DMA,
        ],
        compiler_params=pltpu.CompilerParams(use_tc_tiling_on_sc=False),
    )(msgp, dstidx, zrows)


def _sc_scatter_msg_body(msgp, dstidx, zrows, out, idx0, msg0, idx1, msg1,
                         idx_t, msg_t, acc, sem0, sem1):
    cid = lax.axis_index("c")
    sid = lax.axis_index("s")
    base = _wid() * EPT
    nb = sid * NPT
    pltpu.sync_copy(zrows.at[pl.ds(nb, NPT)], acc.at[pl.ds(nb, NPT)])
    plsc.subcore_barrier()
    pltpu.async_copy(dstidx.at[pl.ds(base, 128)], idx0, sem0)
    pltpu.async_copy(msgp.at[pl.ds(base, 128)], msg0, sem0)

    def step(k, carry):
        j0 = 2 * k
        off1 = base + (j0 + 1) * 128
        pltpu.async_copy(dstidx.at[pl.ds(off1, 128)], idx1, sem1)
        pltpu.async_copy(msgp.at[pl.ds(off1, 128)], msg1, sem1)
        pltpu.make_async_copy(dstidx.at[pl.ds(base, 128)], idx0, sem0).wait()
        pltpu.make_async_copy(msgp.at[pl.ds(base, 128)], msg0, sem0).wait()
        pltpu.sync_copy(msg0, acc.at[idx0], add=True)

        @pl.when(j0 + 2 < EFULL)
        def _():
            off2 = base + (j0 + 2) * 128
            pltpu.async_copy(dstidx.at[pl.ds(off2, 128)], idx0, sem0)
            pltpu.async_copy(msgp.at[pl.ds(off2, 128)], msg0, sem0)

        pltpu.make_async_copy(dstidx.at[pl.ds(base, 128)], idx1, sem1).wait()
        pltpu.make_async_copy(msgp.at[pl.ds(base, 128)], msg1, sem1).wait()
        pltpu.sync_copy(msg1, acc.at[idx1], add=True)
        return carry

    lax.fori_loop(0, EFULL // 2, step, 0)
    pltpu.make_async_copy(dstidx.at[pl.ds(base, 128)], idx0, sem0).wait()
    pltpu.make_async_copy(msgp.at[pl.ds(base, 128)], msg0, sem0).wait()
    pltpu.sync_copy(msg0, acc.at[idx0], add=True)
    off = base + EFULL * 128
    pltpu.sync_copy(dstidx.at[pl.ds(off, ETAIL)], idx_t)
    pltpu.sync_copy(msgp.at[pl.ds(off, ETAIL)], msg_t)
    pltpu.sync_copy(msg_t, acc.at[idx_t], add=True)
    plsc.subcore_barrier()
    pltpu.sync_copy(acc.at[pl.ds(nb, NPT)], out.at[cid, pl.ds(nb, NPT)])


def _tc_finish_body(p_ref, bias_ref, sel_ref, out_ref):
    s = p_ref[0] + p_ref[1]
    deg = jnp.sum(s * sel_ref[...], axis=1, keepdims=True)
    h = jnp.maximum(s / jnp.maximum(deg, 1.0) + bias_ref[...], 0.0)
    mask = jnp.concatenate(
        [jnp.ones((1, H_F), jnp.float32), jnp.zeros((1, 8 - H_F), jnp.float32)],
        axis=1,
    )
    h = h * mask
    out_ref[...] = jnp.concatenate([h, jnp.zeros_like(h)], axis=1)


def _tc_finish(partials, conv_bias):
    bias8 = jnp.pad(conv_bias, (0, 8 - H_F)).reshape(1, 8)
    sel = jnp.zeros((1, 8), jnp.float32).at[0, H_F].set(1.0)
    return pl.pallas_call(
        _tc_finish_body,
        grid=(1,),
        in_specs=[
            pl.BlockSpec((NC, NPAD, 8), lambda i: (0, 0, 0)),
            pl.BlockSpec((1, 8), lambda i: (0, 0)),
            pl.BlockSpec((1, 8), lambda i: (0, 0)),
        ],
        out_specs=pl.BlockSpec((NPAD, 16), lambda i: (0, 0)),
        out_shape=jax.ShapeDtypeStruct((NPAD, 16), jnp.float32),
    )(partials, bias8, sel)


_CPT = KP // 128 // NW


def _sc_cls_gather_ids(eidx, srcids, dstids):
    return pl.kernel(
        _sc_cls_gather_ids_body,
        out_type=(
            jax.ShapeDtypeStruct((KP,), jnp.int32),
            jax.ShapeDtypeStruct((KP,), jnp.int32),
        ),
        mesh=_mesh(),
        scratch_types=[
            pltpu.VMEM((_CPT * 128,), jnp.int32),
            pltpu.VMEM((128,), jnp.int32),
            pltpu.VMEM((128,), jnp.int32),
            pltpu.SemaphoreType.DMA,
        ],
        compiler_params=pltpu.CompilerParams(use_tc_tiling_on_sc=False),
    )(eidx, srcids, dstids)


def _sc_cls_gather_ids_body(eidx, srcids, dstids, o_es, o_ed,
                            eidx_all, src_v, dst_v, sem):
    base0 = _wid() * _CPT * 128
    pltpu.sync_copy(eidx.at[pl.ds(base0, _CPT * 128)], eidx_all)

    def step(j, carry):
        off = base0 + j * 128
        eslice = eidx_all.at[pl.ds(j * 128, 128)]
        pltpu.async_copy(srcids.at[eslice], src_v, sem).wait()
        pltpu.async_copy(dstids.at[eslice], dst_v, sem).wait()
        pltpu.sync_copy(src_v, o_es.at[pl.ds(off, 128)])
        pltpu.sync_copy(dst_v, o_ed.at[pl.ds(off, 128)])
        return carry

    lax.fori_loop(0, _CPT, step, 0)


def _sc_cls_gather_h(es, ed, h16, eidx, efeat):
    return pl.kernel(
        _sc_cls_gather_h_body,
        out_type=(
            jax.ShapeDtypeStruct((KP, 16), jnp.float32),
            jax.ShapeDtypeStruct((KP, 16), jnp.float32),
            jax.ShapeDtypeStruct((KP, DE_F), jnp.float32),
        ),
        mesh=_mesh(),
        scratch_types=[
            pltpu.VMEM((_CPT * 128,), jnp.int32),
            pltpu.VMEM((_CPT * 128,), jnp.int32),
            pltpu.VMEM((_CPT * 128,), jnp.int32),
            pltpu.VMEM((128, 16), jnp.float32),
            pltpu.VMEM((128, 16), jnp.float32),
            pltpu.VMEM((128, DE_F), jnp.float32),
            pltpu.VMEM((128, 16), jnp.float32),
            pltpu.VMEM((128, 16), jnp.float32),
            pltpu.VMEM((128, DE_F), jnp.float32),
            pltpu.SemaphoreType.DMA,
            pltpu.SemaphoreType.DMA,
        ],
        compiler_params=pltpu.CompilerParams(use_tc_tiling_on_sc=False),
    )(es, ed, h16, eidx, efeat)


def _sc_cls_gather_h_body(es, ed, h16, eidx, efeat, o_s, o_d, o_e,
                          es_all, ed_all, ei_all, hs0, hd0, ef0, hs1, hd1,
                          ef1, sem0, sem1):
    base0 = _wid() * _CPT * 128
    pltpu.sync_copy(es.at[pl.ds(base0, _CPT * 128)], es_all)
    pltpu.sync_copy(ed.at[pl.ds(base0, _CPT * 128)], ed_all)
    pltpu.sync_copy(eidx.at[pl.ds(base0, _CPT * 128)], ei_all)

    def fire(j, hs, hd, ef, sem):
        pltpu.async_copy(h16.at[es_all.at[pl.ds(j * 128, 128)]], hs, sem)
        pltpu.async_copy(h16.at[ed_all.at[pl.ds(j * 128, 128)]], hd, sem)
        pltpu.async_copy(efeat.at[ei_all.at[pl.ds(j * 128, 128)]], ef, sem)

    def drain_write(j, hs, hd, ef, sem):
        pltpu.make_async_copy(h16.at[es_all.at[pl.ds(0, 128)]], hs,
                              sem).wait()
        pltpu.make_async_copy(h16.at[ed_all.at[pl.ds(0, 128)]], hd,
                              sem).wait()
        pltpu.make_async_copy(efeat.at[ei_all.at[pl.ds(0, 128)]], ef,
                              sem).wait()
        off = base0 + j * 128
        pltpu.sync_copy(hs, o_s.at[pl.ds(off, 128)])
        pltpu.sync_copy(hd, o_d.at[pl.ds(off, 128)])
        pltpu.sync_copy(ef, o_e.at[pl.ds(off, 128)])

    fire(0, hs0, hd0, ef0, sem0)

    def step(k, carry):
        j0 = 2 * k
        fire(j0 + 1, hs1, hd1, ef1, sem1)
        drain_write(j0, hs0, hd0, ef0, sem0)

        @pl.when(j0 + 2 < _CPT)
        def _():
            fire(j0 + 2, hs0, hd0, ef0, sem0)

        drain_write(j0 + 1, hs1, hd1, ef1, sem1)
        return carry

    lax.fori_loop(0, _CPT // 2, step, 0)
    drain_write(_CPT - 1, hs0, hd0, ef0, sem0)


def _tc_cls_body(a_ref, b_ref, c_ref, ws_ref, wd_ref, we_ref, b1_ref,
                 w2_ref, b2_ref, out_ref):
    z = jnp.maximum(
        jnp.dot(a_ref[...], ws_ref[...], preferred_element_type=jnp.float32)
        + jnp.dot(b_ref[...], wd_ref[...], preferred_element_type=jnp.float32)
        + jnp.dot(c_ref[...], we_ref[...], preferred_element_type=jnp.float32)
        + b1_ref[...],
        0.0,
    )
    out_ref[...] = (
        jnp.dot(z, w2_ref[...], preferred_element_type=jnp.float32)
        + b2_ref[...]
    )


def _tc_cls(o_s, o_d, o_e, cW1, cb1, cW2, cb2):
    blk1 = jnp.pad(cW1[0:H_F], ((0, 16 - H_F), (0, 8 - H_F)))
    blk2 = jnp.pad(cW1[H_F:2 * H_F], ((0, 16 - H_F), (0, 8 - H_F)))
    blk3 = jnp.pad(cW1[2 * H_F:], ((0, 0), (0, 8 - H_F)))
    eye8 = jnp.eye(8, dtype=jnp.float32)
    Wts = jnp.kron(eye8, blk1)
    Wtd = jnp.kron(eye8, blk2)
    Wte = jnp.kron(eye8, blk3)
    cb1t = jnp.tile(jnp.pad(cb1, (0, 8 - H_F)), 8).reshape(1, 64)
    cW2pp = jnp.pad(cW2, ((0, 8 - H_F), (0, 16 - OUT_F)))
    V2 = jnp.kron(eye8, cW2pp)
    cb2t = jnp.tile(jnp.pad(cb2, (0, 16 - OUT_F)), 8).reshape(1, 128)
    rows = 512
    grid = KP // (8 * rows)
    ps = o_s.reshape(KP // 8, 128)
    pd = o_d.reshape(KP // 8, 128)
    pe = o_e.reshape(KP // 8, 128)
    out_pk = pl.pallas_call(
        _tc_cls_body,
        grid=(grid,),
        in_specs=[
            pl.BlockSpec((rows, 128), lambda i: (i, 0)),
            pl.BlockSpec((rows, 128), lambda i: (i, 0)),
            pl.BlockSpec((rows, 128), lambda i: (i, 0)),
            pl.BlockSpec((128, 64), lambda i: (0, 0)),
            pl.BlockSpec((128, 64), lambda i: (0, 0)),
            pl.BlockSpec((128, 64), lambda i: (0, 0)),
            pl.BlockSpec((1, 64), lambda i: (0, 0)),
            pl.BlockSpec((64, 128), lambda i: (0, 0)),
            pl.BlockSpec((1, 128), lambda i: (0, 0)),
        ],
        out_specs=pl.BlockSpec((rows, 128), lambda i: (i, 0)),
        out_shape=jax.ShapeDtypeStruct((KP // 8, 128), jnp.float32),
    )(ps, pd, pe, Wts, Wtd, Wte, cb1t, V2, cb2t)
    return out_pk.reshape(KP, 16)


def kernel(node_feats, edge_feats, edge_index, edge_indices,
           W1, b1, W2, b2, conv_bias, cW1, cb1, cW2, cb2):
    src = edge_index[0]
    dst = edge_index[1]
    W2p = W2.reshape(MID_F, IN_F, H_F).transpose(0, 2, 1).reshape(MID_F, IN_F * H_F)
    b2p = b2.reshape(IN_F, H_F).T.reshape(IN_F * H_F)

    x_src = _sc_gather_xsrc(node_feats, src)

    eidxp = jnp.concatenate(
        [edge_indices, jnp.zeros((KP - K_SEL,), jnp.int32)])
    es, ed = _sc_cls_gather_ids(eidxp, src, dst)

    msgp = _tc_msg(edge_feats.T, x_src, W1, b1, W2p, b2p)
    zrows = jnp.zeros((NPAD, 8), jnp.float32)
    partials = _sc_scatter_msg(msgp, dst, zrows)
    h16 = _tc_finish(partials, conv_bias)

    o_s, o_d, o_e = _sc_cls_gather_h(es, ed, h16, eidxp, edge_feats)
    out16 = _tc_cls(o_s, o_d, o_e, cW1, cb1, cW2, cb2)
    return out16[:K_SEL, :OUT_F]

# --- scband reference (transcript-rebuilt; emitter-appended) ---
"""Pipeline reference for scband-nnconv-net-17463337025850 (READ-ONLY COPY).

The authoritative reference and input builder live on the scoring server;
editing this copy changes nothing except your own understanding.
"""

import jax, jax.numpy as jnp
import numpy as np

N, E, IN, DE, H, OUT = 10000, 160000, 128, 16, 4, 2
MID = 2 * IN  # edge_mlp_hidden * in_feats = 256
K = 100000


def setup_inputs(seed: int = 0) -> dict:
    key = jax.random.key(seed)
    ks = jax.random.split(key, 16)
    inp = {}
    inp['node_feats'] = jax.random.normal(ks[0], (N, IN), dtype=jnp.float32)
    inp['edge_feats'] = jax.random.normal(ks[1], (E, DE), dtype=jnp.float32)
    inp['edge_index'] = jax.random.randint(ks[2], (2, E), 0, N, dtype=jnp.int32)
    inp['edge_indices'] = jax.random.randint(ks[3], (K,), 0, E, dtype=jnp.int32)
    # edge_network params: Linear(DE, MID) -> ReLU -> Linear(MID, H*IN)
    inp['W1'] = jax.random.normal(ks[4], (DE, MID), dtype=jnp.float32) * 0.05
    inp['b1'] = jnp.zeros((MID,), dtype=jnp.float32)
    inp['W2'] = jax.random.normal(ks[5], (MID, H * IN), dtype=jnp.float32) * 0.05
    inp['b2'] = jnp.zeros((H * IN,), dtype=jnp.float32)
    # NNConv bias
    inp['conv_bias'] = jnp.zeros((H,), dtype=jnp.float32)
    # edge classifier: Linear(2H+DE, H) -> ReLU -> Linear(H, OUT)
    inp['cW1'] = jax.random.normal(ks[6], (2 * H + DE, H), dtype=jnp.float32) * 0.05
    inp['cb1'] = jnp.zeros((H,), dtype=jnp.float32)
    inp['cW2'] = jax.random.normal(ks[7], (H, OUT), dtype=jnp.float32) * 0.05
    inp['cb2'] = jnp.zeros((OUT,), dtype=jnp.float32)
    return inp


def reference(node_feats, edge_feats, edge_index, edge_indices, W1, b1, W2, b2, conv_bias, cW1, cb1, cW2, cb2):
    src = edge_index[0]
    dst = edge_index[1]
    n = node_feats.shape[0]
    in_f = node_feats.shape[1]
    h_out = W2.shape[1] // in_f
    # edge network: per-edge weight matrix [E, in_f, h_out]
    he = jax.nn.relu(edge_feats @ W1 + b1)
    We = (he @ W2 + b2).reshape(-1, in_f, h_out)
    # NNConv message: m_e = x_src[e] @ We[e]
    x_src = jnp.take(node_feats, src, axis=0)
    msg = jnp.einsum('ei,eio->eo', x_src, We)
    # mean aggregation over dst + bias (DGL NNConv, aggregator_type='mean')
    agg = jax.ops.segment_sum(msg, dst, num_segments=n)
    deg = jax.ops.segment_sum(jnp.ones((msg.shape[0],), dtype=jnp.float32), dst, num_segments=n)
    h = agg / jnp.clip(deg, 1.0)[:, None] + conv_bias
    # relu after conv; dropout is identity in eval mode
    h = jax.nn.relu(h)
    # g.find_edges(edge_indices)
    e_src = jnp.take(src, edge_indices)
    e_dst = jnp.take(dst, edge_indices)
    src_h = jnp.take(h, e_src, axis=0)
    dst_h = jnp.take(h, e_dst, axis=0)
    e_feat = jnp.take(edge_feats, edge_indices, axis=0)
    edge_input = jnp.concatenate([src_h, dst_h, e_feat], axis=1)
    z = jax.nn.relu(edge_input @ cW1 + cb1)
    logits = z @ cW2 + cb2
    return logits

if __name__ == "__main__":
    import jax
    _d = setup_inputs()
    print(jax.jit(kernel)(*tuple(_d.values())))

</pallas_src>

<mosaic_0001>
#map = affine_map<(d0, d1) -> (0, 0)>
#map1 = affine_map<(d0, d1) -> (0)>
module attributes {stable_mosaic.version = 14 : i64} {
  func.func @_sc_gather_xsrc_body(%arg0: i32, %arg1: i32, %arg2: memref<10000x128xf32, #tpu.memory_space<hbm>>, %arg3: memref<160000xi32, #tpu.memory_space<hbm>>, %arg4: memref<160000x128xf32, #tpu.memory_space<hbm>>, %arg5: memref<5000xi32, #tpu.memory_space<vmem>>, %arg6: memref<128x128xf32, #tpu.memory_space<vmem>>, %arg7: memref<128x128xf32, #tpu.memory_space<vmem>>, %arg8: memref<8xi32, #tpu.memory_space<vmem>>, %arg9: memref<8x128xf32, #tpu.memory_space<vmem>>, %arg10: memref<!tpu.dma_semaphore, #tpu.memory_space<semaphore_mem>>, %arg11: memref<!tpu.dma_semaphore, #tpu.memory_space<semaphore_mem>>) attributes {dimension_semantics = [#tpu.dimension_semantics<core_parallel>, #tpu.dimension_semantics<subcore_parallel>], iteration_bounds = array<i64: 2, 16>, scalar_prefetch = 0 : i64, scratch_operands = 7 : i64, tpu.core_type = #tpu.core_type<sc_vector_subcore>, window_params = [{transform_indices = #map}, {transform_indices = #map1}, {transform_indices = #map}]} {
    %mul3A = arith.constant 2 : i32
    %mul3A_0 = arith.muli %arg1, %mul3A : i32
    %add3A = arith.addi %mul3A_0, %arg0 : i32
    %mul3A_1 = arith.constant 5000 : i32
    %mul3A_2 = arith.muli %add3A, %mul3A_1 : i32
    "tpu.region"() ({
      %run_scoped3A = tpu.sem_alloc : memref<!tpu.dma_semaphore, #tpu.memory_space<semaphore_mem>>
      %dma_start3A_26 = tpu.memref_slice %arg3[%mul3A_2] : memref<160000xi32, #tpu.memory_space<hbm>> -> memref<5000xi32, #tpu.memory_space<hbm>>
      %dma_start3A_27 = tpu.memref_slice %arg3[%mul3A_2] : memref<160000xi32, #tpu.memory_space<hbm>> -> memref<5000xi32, #tpu.memory_space<hbm>>
      tpu.enqueue_dma source(%dma_start3A_27 : memref<5000xi32, #tpu.memory_space<hbm>>) target(%arg5 : memref<5000xi32, #tpu.memory_space<vmem>>) target_semaphore(%run_scoped3A : memref<!tpu.dma_semaphore, #tpu.memory_space<semaphore_mem>>)
      %dma_wait3A_28 = tpu.memref_slice %arg3[%mul3A_2] : memref<160000xi32, #tpu.memory_space<hbm>> -> memref<5000xi32, #tpu.memory_space<hbm>>
      %dma_wait3A_29 = tpu.memref_slice %arg3[%mul3A_2] : memref<160000xi32, #tpu.memory_space<hbm>> -> memref<5000xi32, #tpu.memory_space<hbm>>
      tpu.wait_dma2 semaphore(%run_scoped3A : memref<!tpu.dma_semaphore, #tpu.memory_space<semaphore_mem>>) src(%dma_wait3A_29 : memref<5000xi32, #tpu.memory_space<hbm>>) dst(%arg5 : memref<5000xi32, #tpu.memory_space<vmem>>)
      tpu.yield
    }) : () -> ()
    %dma_start3A = arith.constant 0 : i32
    %dma_start3A_3 = tpu.memref_slice %arg5[%dma_start3A] : memref<5000xi32, #tpu.memory_space<vmem>> -> memref<128xi32, #tpu.memory_space<vmem>>
    %dma_start3A_4 = arith.constant 0 : i32
    %dma_start3A_5 = arith.constant 0 : i32
    %dma_start3A_6 = tpu.memref_slice %arg2[%dma_start3A_4, %dma_start3A_5] : memref<10000x128xf32, #tpu.memory_space<hbm>> -> memref<10000x128xf32, #tpu.memory_space<hbm>>
    tpu.enqueue_indirect_dma source(%dma_start3A_6 : memref<10000x128xf32, #tpu.memory_space<hbm>>) target(%arg6 : memref<128x128xf32, #tpu.memory_space<vmem>>) offsets(%dma_start3A_3 : memref<128xi32, #tpu.memory_space<vmem>>) semaphore(%arg10 : memref<!tpu.dma_semaphore, #tpu.memory_space<semaphore_mem>>)
    %scan3A = arith.constant 0 : i32
    %scan3A_7 = arith.constant 0 : i32
    %scan3A_8 = arith.constant 19 : i32
    %scan3A_9 = arith.addi %scan3A_7, %scan3A_8 : i32
    %scan3A_10 = arith.constant 1 : i32
    scf.for %scan3A_26 = %scan3A_7 to %scan3A_9 step %scan3A_10  : i32 {
      %mul3A_27 = arith.constant 2 : i32
      %mul3A_28 = arith.muli %mul3A_27, %scan3A_26 : i32
      %add3A_29 = arith.constant 1 : i32
      %add3A_30 = arith.addi %mul3A_28, %add3A_29 : i32
      %mul3A_31 = arith.constant 128 : i32
      %mul3A_32 = arith.muli %add3A_30, %mul3A_31 : i32
      %dma_start3A_33 = tpu.memref_slice %arg5[%mul3A_32] : memref<5000xi32, #tpu.memory_space<vmem>> -> memref<128xi32, #tpu.memory_space<vmem>>
      %dma_start3A_34 = arith.constant 0 : i32
      %dma_start3A_35 = arith.constant 0 : i32
      %dma_start3A_36 = tpu.memref_slice %arg2[%dma_start3A_34, %dma_start3A_35] : memref<10000x128xf32, #tpu.memory_space<hbm>> -> memref<10000x128xf32, #tpu.memory_space<hbm>>
      tpu.enqueue_indirect_dma source(%dma_start3A_36 : memref<10000x128xf32, #tpu.memory_space<hbm>>) target(%arg7 : memref<128x128xf32, #tpu.memory_space<vmem>>) offsets(%dma_start3A_33 : memref<128xi32, #tpu.memory_space<vmem>>) semaphore(%arg11 : memref<!tpu.dma_semaphore, #tpu.memory_space<semaphore_mem>>)
      %dma_wait3A_37 = arith.constant 0 : i32
      %dma_wait3A_38 = tpu.memref_slice %arg5[%dma_wait3A_37] : memref<5000xi32, #tpu.memory_space<vmem>> -> memref<128xi32, #tpu.memory_space<vmem>>
      %dma_wait3A_39 = arith.constant 0 : i32
      %dma_wait3A_40 = arith.constant 0 : i32
      %dma_wait3A_41 = tpu.memref_slice %arg2[%dma_wait3A_39, %dma_wait3A_40] : memref<10000x128xf32, #tpu.memory_space<hbm>> -> memref<10000x128xf32, #tpu.memory_space<hbm>>
      tpu.wait_indirect_dma semaphore(%arg10 : memref<!tpu.dma_semaphore, #tpu.memory_space<semaphore_mem>>) src(%dma_wait3A_41 : memref<10000x128xf32, #tpu.memory_space<hbm>>) dst(%arg6 : memref<128x128xf32, #tpu.memory_space<vmem>>)
      %mul3A_42 = arith.constant 128 : i32
      %mul3A_43 = arith.muli %mul3A_28, %mul3A_42 : i32
      %add3A_44 = arith.addi %mul3A_2, %mul3A_43 : i32
      "tpu.region"() ({
        %run_scoped3A = tpu.sem_alloc : memref<!tpu.dma_semaphore, #tpu.memory_space<semaphore_mem>>
        %dma_start3A_59 = arith.constant 0 : i32
        %dma_start3A_60 = tpu.memref_slice %arg4[%add3A_44, %dma_start3A_59] : memref<160000x128xf32, #tpu.memory_space<hbm>> -> memref<128x128xf32, #tpu.memory_space<hbm>>
        %dma_start3A_61 = arith.constant 0 : i32
        %dma_start3A_62 = tpu.memref_slice %arg4[%add3A_44, %dma_start3A_61] : memref<160000x128xf32, #tpu.memory_space<hbm>> -> memref<128x128xf32, #tpu.memory_space<hbm>>
        tpu.enqueue_dma source(%arg6 : memref<128x128xf32, #tpu.memory_space<vmem>>) target(%dma_start3A_62 : memref<128x128xf32, #tpu.memory_space<hbm>>) target_semaphore(%run_scoped3A : memref<!tpu.dma_semaphore, #tpu.memory_space<semaphore_mem>>)
        %dma_wait3A_63 = arith.constant 0 : i32
        %dma_wait3A_64 = tpu.memref_slice %arg4[%add3A_44, %dma_wait3A_63] : memref<160000x128xf32, #tpu.memory_space<hbm>> -> memref<128x128xf32, #tpu.memory_space<hbm>>
        %dma_wait3A_65 = arith.constant 0 : i32
        %dma_wait3A_66 = tpu.memref_slice %arg4[%add3A_44, %dma_wait3A_65] : memref<160000x128xf32, #tpu.memory_space<hbm>> -> memref<128x128xf32, #tpu.memory_space<hbm>>
        tpu.wait_dma2 semaphore(%run_scoped3A : memref<!tpu.dma_semaphore, #tpu.memory_space<semaphore_mem>>) src(%arg6 : memref<128x128xf32, #tpu.memory_space<vmem>>) dst(%dma_wait3A_66 : memref<128x128xf32, #tpu.memory_space<hbm>>)
        tpu.yield
      }) : () -> ()
      %add3A_45 = arith.constant 2 : i32
      %add3A_46 = arith.addi %mul3A_28, %add3A_45 : i32
      %lt3A = arith.constant 39 : i32
      %lt3A_47 = arith.cmpi slt, %add3A_46, %lt3A : i32
      %convert_element_type3A = arith.extui %lt3A_47 : i1 to i32
      %cond3A = arith.constant 0 : i32
      %cond3A_48 = arith.cmpi ne, %convert_element_type3A, %cond3A : i32
      scf.if %cond3A_48 {
        %add3A_59 = arith.constant 2 : i32
        %add3A_60 = arith.addi %mul3A_28, %add3A_59 : i32
        %mul3A_61 = arith.constant 128 : i32
        %mul3A_62 = arith.muli %add3A_60, %mul3A_61 : i32
        %dma_start3A_63 = tpu.memref_slice %arg5[%mul3A_62] : memref<5000xi32, #tpu.memory_space<vmem>> -> memref<128xi32, #tpu.memory_space<vmem>>
        %dma_start3A_64 = arith.constant 0 : i32
        %dma_start3A_65 = arith.constant 0 : i32
        %dma_start3A_66 = tpu.memref_slice %arg2[%dma_start3A_64, %dma_start3A_65] : memref<10000x128xf32, #tpu.memory_space<hbm>> -> memref<10000x128xf32, #tpu.memory_space<hbm>>
        tpu.enqueue_indirect_dma source(%dma_start3A_66 : memref<10000x128xf32, #tpu.memory_space<hbm>>) target(%arg6 : memref<128x128xf32, #tpu.memory_space<vmem>>) offsets(%dma_start3A_63 : memref<128xi32, #tpu.memory_space<vmem>>) semaphore(%arg10 : memref<!tpu.dma_semaphore, #tpu.memory_space<semaphore_mem>>)
      } else {
      }
      %dma_wait3A_49 = arith.constant 0 : i32
      %dma_wait3A_50 = tpu.memref_slice %arg5[%dma_wait3A_49] : memref<5000xi32, #tpu.memory_space<vmem>> -> memref<128xi32, #tpu.memory_space<vmem>>
      %dma_wait3A_51 = arith.constant 0 : i32
      %dma_wait3A_52 = arith.constant 0 : i32
      %dma_wait3A_53 = tpu.memref_slice %arg2[%dma_wait3A_51, %dma_wait3A_52] : memref<10000x128xf32, #tpu.memory_space<hbm>> -> memref<10000x128xf32, #tpu.memory_space<hbm>>
      tpu.wait_indirect_dma semaphore(%arg11 : memref<!tpu.dma_semaphore, #tpu.memory_space<semaphore_mem>>) src(%dma_wait3A_53 : memref<10000x128xf32, #tpu.memory_space<hbm>>) dst(%arg7 : memref<128x128xf32, #tpu.memory_space<vmem>>)
      %add3A_54 = arith.constant 1 : i32
      %add3A_55 = arith.addi %mul3A_28, %add3A_54 : i32
      %mul3A_56 = arith.constant 128 : i32
      %mul3A_57 = arith.muli %add3A_55, %mul3A_56 : i32
      %add3A_58 = arith.addi %mul3A_2, %mul3A_57 : i32
      "tpu.region"() ({
        %run_scoped3A = tpu.sem_alloc : memref<!tpu.dma_semaphore, #tpu.memory_space<semaphore_mem>>
        %dma_start3A_59 = arith.constant 0 : i32
        %dma_start3A_60 = tpu.memref_slice %arg4[%add3A_58, %dma_start3A_59] : memref<160000x128xf32, #tpu.memory_space<hbm>> -> memref<128x128xf32, #tpu.memory_space<hbm>>
        %dma_start3A_61 = arith.constant 0 : i32
        %dma_start3A_62 = tpu.memref_slice %arg4[%add3A_58, %dma_start3A_61] : memref<160000x128xf32, #tpu.memory_space<hbm>> -> memref<128x128xf32, #tpu.memory_space<hbm>>
        tpu.enqueue_dma source(%arg7 : memref<128x128xf32, #tpu.memory_space<vmem>>) target(%dma_start3A_62 : memref<128x128xf32, #tpu.memory_space<hbm>>) target_semaphore(%run_scoped3A : memref<!tpu.dma_semaphore, #tpu.memory_space<semaphore_mem>>)
        %dma_wait3A_63 = arith.constant 0 : i32
        %dma_wait3A_64 = tpu.memref_slice %arg4[%add3A_58, %dma_wait3A_63] : memref<160000x128xf32, #tpu.memory_space<hbm>> -> memref<128x128xf32, #tpu.memory_space<hbm>>
        %dma_wait3A_65 = arith.constant 0 : i32
        %dma_wait3A_66 = tpu.memref_slice %arg4[%add3A_58, %dma_wait3A_65] : memref<160000x128xf32, #tpu.memory_space<hbm>> -> memref<128x128xf32, #tpu.memory_space<hbm>>
        tpu.wait_dma2 semaphore(%run_scoped3A : memref<!tpu.dma_semaphore, #tpu.memory_space<semaphore_mem>>) src(%arg7 : memref<128x128xf32, #tpu.memory_space<vmem>>) dst(%dma_wait3A_66 : memref<128x128xf32, #tpu.memory_space<hbm>>)
        tpu.yield
      }) : () -> ()
    }
    %scan3A_11 = arith.constant 19 : i32
    %dma_wait3A = arith.constant 0 : i32
    %dma_wait3A_12 = tpu.memref_slice %arg5[%dma_wait3A] : memref<5000xi32, #tpu.memory_space<vmem>> -> memref<128xi32, #tpu.memory_space<vmem>>
    %dma_wait3A_13 = arith.constant 0 : i32
    %dma_wait3A_14 = arith.constant 0 : i32
    %dma_wait3A_15 = tpu.memref_slice %arg2[%dma_wait3A_13, %dma_wait3A_14] : memref<10000x128xf32, #tpu.memory_space<hbm>> -> memref<10000x128xf32, #tpu.memory_space<hbm>>
    tpu.wait_indirect_dma semaphore(%arg10 : memref<!tpu.dma_semaphore, #tpu.memory_space<semaphore_mem>>) src(%dma_wait3A_15 : memref<10000x128xf32, #tpu.memory_space<hbm>>) dst(%arg6 : memref<128x128xf32, #tpu.memory_space<vmem>>)
    %add3A_16 = arith.constant 4864 : i32
    %add3A_17 = arith.addi %mul3A_2, %add3A_16 : i32
    "tpu.region"() ({
      %run_scoped3A = tpu.sem_alloc : memref<!tpu.dma_semaphore, #tpu.memory_space<semaphore_mem>>
      %dma_start3A_26 = arith.constant 0 : i32
      %dma_start3A_27 = tpu.memref_slice %arg4[%add3A_17, %dma_start3A_26] : memref<160000x128xf32, #tpu.memory_space<hbm>> -> memref<128x128xf32, #tpu.memory_space<hbm>>
      %dma_start3A_28 = arith.constant 0 : i32
      %dma_start3A_29 = tpu.memref_slice %arg4[%add3A_17, %dma_start3A_28] : memref<160000x128xf32, #tpu.memory_space<hbm>> -> memref<128x128xf32, #tpu.memory_space<hbm>>
      tpu.enqueue_dma source(%arg6 : memref<128x128xf32, #tpu.memory_space<vmem>>) target(%dma_start3A_29 : memref<128x128xf32, #tpu.memory_space<hbm>>) target_semaphore(%run_scoped3A : memref<!tpu.dma_semaphore, #tpu.memory_space<semaphore_mem>>)
      %dma_wait3A_30 = arith.constant 0 : i32
      %dma_wait3A_31 = tpu.memref_slice %arg4[%add3A_17, %dma_wait3A_30] : memref<160000x128xf32, #tpu.memory_space<hbm>> -> memref<128x128xf32, #tpu.memory_space<hbm>>
      %dma_wait3A_32 = arith.constant 0 : i32
      %dma_wait3A_33 = tpu.memref_slice %arg4[%add3A_17, %dma_wait3A_32] : memref<160000x128xf32, #tpu.memory_space<hbm>> -> memref<128x128xf32, #tpu.memory_space<hbm>>
      tpu.wait_dma2 semaphore(%run_scoped3A : memref<!tpu.dma_semaphore, #tpu.memory_space<semaphore_mem>>) src(%arg6 : memref<128x128xf32, #tpu.memory_space<vmem>>) dst(%dma_wait3A_33 : memref<128x128xf32, #tpu.memory_space<hbm>>)
      tpu.yield
    }) : () -> ()
    %add3A_18 = arith.constant 4992 : i32
    %add3A_19 = arith.addi %mul3A_2, %add3A_18 : i32
    "tpu.region"() ({
      %run_scoped3A = tpu.sem_alloc : memref<!tpu.dma_semaphore, #tpu.memory_space<semaphore_mem>>
      %dma_start3A_26 = tpu.memref_slice %arg3[%add3A_19] : memref<160000xi32, #tpu.memory_space<hbm>> -> memref<8xi32, #tpu.memory_space<hbm>>
      %dma_start3A_27 = tpu.memref_slice %arg3[%add3A_19] : memref<160000xi32, #tpu.memory_space<hbm>> -> memref<8xi32, #tpu.memory_space<hbm>>
      tpu.enqueue_dma source(%dma_start3A_27 : memref<8xi32, #tpu.memory_space<hbm>>) target(%arg8 : memref<8xi32, #tpu.memory_space<vmem>>) target_semaphore(%run_scoped3A : memref<!tpu.dma_semaphore, #tpu.memory_space<semaphore_mem>>)
      %dma_wait3A_28 = tpu.memref_slice %arg3[%add3A_19] : memref<160000xi32, #tpu.memory_space<hbm>> -> memref<8xi32, #tpu.memory_space<hbm>>
      %dma_wait3A_29 = tpu.memref_slice %arg3[%add3A_19] : memref<160000xi32, #tpu.memory_space<hbm>> -> memref<8xi32, #tpu.memory_space<hbm>>
      tpu.wait_dma2 semaphore(%run_scoped3A : memref<!tpu.dma_semaphore, #tpu.memory_space<semaphore_mem>>) src(%dma_wait3A_29 : memref<8xi32, #tpu.memory_space<hbm>>) dst(%arg8 : memref<8xi32, #tpu.memory_space<vmem>>)
      tpu.yield
    }) : () -> ()
    %dma_start3A_20 = arith.constant 0 : i32
    %dma_start3A_21 = arith.constant 0 : i32
    %dma_start3A_22 = tpu.memref_slice %arg2[%dma_start3A_20, %dma_start3A_21] : memref<10000x128xf32, #tpu.memory_space<hbm>> -> memref<10000x128xf32, #tpu.memory_space<hbm>>
    tpu.enqueue_indirect_dma source(%dma_start3A_22 : memref<10000x128xf32, #tpu.memory_space<hbm>>) target(%arg9 : memref<8x128xf32, #tpu.memory_space<vmem>>) offsets(%arg8 : memref<8xi32, #tpu.memory_space<vmem>>) semaphore(%arg10 : memref<!tpu.dma_semaphore, #tpu.memory_space<semaphore_mem>>)
    %dma_wait3A_23 = arith.constant 0 : i32
    %dma_wait3A_24 = arith.constant 0 : i32
    %dma_wait3A_25 = tpu.memref_slice %arg2[%dma_wait3A_23, %dma_wait3A_24] : memref<10000x128xf32, #tpu.memory_space<hbm>> -> memref<10000x128xf32, #tpu.memory_space<hbm>>
    tpu.wait_indirect_dma semaphore(%arg10 : memref<!tpu.dma_semaphore, #tpu.memory_space<semaphore_mem>>) src(%dma_wait3A_25 : memref<10000x128xf32, #tpu.memory_space<hbm>>) dst(%arg9 : memref<8x128xf32, #tpu.memory_space<vmem>>)
    "tpu.region"() ({
      %run_scoped3A = tpu.sem_alloc : memref<!tpu.dma_semaphore, #tpu.memory_space<semaphore_mem>>
      %dma_start3A_26 = arith.constant 0 : i32
      %dma_start3A_27 = tpu.memref_slice %arg4[%add3A_19, %dma_start3A_26] : memref<160000x128xf32, #tpu.memory_space<hbm>> -> memref<8x128xf32, #tpu.memory_space<hbm>>
      %dma_start3A_28 = arith.constant 0 : i32
      %dma_start3A_29 = tpu.memref_slice %arg4[%add3A_19, %dma_start3A_28] : memref<160000x128xf32, #tpu.memory_space<hbm>> -> memref<8x128xf32, #tpu.memory_space<hbm>>
      tpu.enqueue_dma source(%arg9 : memref<8x128xf32, #tpu.memory_space<vmem>>) target(%dma_start3A_29 : memref<8x128xf32, #tpu.memory_space<hbm>>) target_semaphore(%run_scoped3A : memref<!tpu.dma_semaphore, #tpu.memory_space<semaphore_mem>>)
      %dma_wait3A_30 = arith.constant 0 : i32
      %dma_wait3A_31 = tpu.memref_slice %arg4[%add3A_19, %dma_wait3A_30] : memref<160000x128xf32, #tpu.memory_space<hbm>> -> memref<8x128xf32, #tpu.memory_space<hbm>>
      %dma_wait3A_32 = arith.constant 0 : i32
      %dma_wait3A_33 = tpu.memref_slice %arg4[%add3A_19, %dma_wait3A_32] : memref<160000x128xf32, #tpu.memory_space<hbm>> -> memref<8x128xf32, #tpu.memory_space<hbm>>
      tpu.wait_dma2 semaphore(%run_scoped3A : memref<!tpu.dma_semaphore, #tpu.memory_space<semaphore_mem>>) src(%arg9 : memref<8x128xf32, #tpu.memory_space<vmem>>) dst(%dma_wait3A_33 : memref<8x128xf32, #tpu.memory_space<hbm>>)
      tpu.yield
    }) : () -> ()
    return
  }
}

#map = affine_map<(d0, d1) -> (0, 0)>
#map1 = affine_map<(d0, d1) -> (0)>
#map2 = affine_map<(d0, d1) -> (0, 0, 0)>
module attributes {stable_mosaic.version = 14 : i64} {
  func.func @_sc_scatter_msg_body(%arg0: i32, %arg1: i32, %arg2: memref<160000x8xf32, #tpu.memory_space<hbm>>, %arg3: memref<160000xi32, #tpu.memory_space<hbm>>, %arg4: memref<10240x8xf32, #tpu.memory_space<hbm>>, %arg5: memref<2x10240x8xf32, #tpu.memory_space<hbm>>, %arg6: memref<128xi32, #tpu.memory_space<vmem>>, %arg7: memref<128x8xf32, #tpu.memory_space<vmem>>, %arg8: memref<128xi32, #tpu.memory_space<vmem>>, %arg9: memref<128x8xf32, #tpu.memory_space<vmem>>, %arg10: memref<8xi32, #tpu.memory_space<vmem>>, %arg11: memref<8x8xf32, #tpu.memory_space<vmem>>, %arg12: memref<10240x8xf32, #tpu.memory_space<vmem_shared>>, %arg13: memref<!tpu.dma_semaphore, #tpu.memory_space<semaphore_mem>>, %arg14: memref<!tpu.dma_semaphore, #tpu.memory_space<semaphore_mem>>) attributes {dimension_semantics = [#tpu.dimension_semantics<core_parallel>, #tpu.dimension_semantics<subcore_parallel>], iteration_bounds = array<i64: 2, 16>, scalar_prefetch = 0 : i64, scratch_operands = 9 : i64, tpu.core_type = #tpu.core_type<sc_vector_subcore>, window_params = [{transform_indices = #map}, {transform_indices = #map1}, {transform_indices = #map}, {transform_indices = #map2}]} {
    %mul3A = arith.constant 2 : i32
    %mul3A_0 = arith.muli %arg1, %mul3A : i32
    %add3A = arith.addi %mul3A_0, %arg0 : i32
    %mul3A_1 = arith.constant 5000 : i32
    %mul3A_2 = arith.muli %add3A, %mul3A_1 : i32
    %mul3A_3 = arith.constant 640 : i32
    %mul3A_4 = arith.muli %arg1, %mul3A_3 : i32
    "tpu.region"() ({
      %run_scoped3A = tpu.sem_alloc : memref<!tpu.dma_semaphore, #tpu.memory_space<semaphore_mem>>
      %dma_start3A_23 = arith.constant 0 : i32
      %dma_start3A_24 = tpu.memref_slice %arg12[%mul3A_4, %dma_start3A_23] : memref<10240x8xf32, #tpu.memory_space<vmem_shared>> -> memref<640x8xf32, #tpu.memory_space<vmem_shared>>
      %dma_start3A_25 = arith.constant 0 : i32
      %dma_start3A_26 = tpu.memref_slice %arg4[%mul3A_4, %dma_start3A_25] : memref<10240x8xf32, #tpu.memory_space<hbm>> -> memref<640x8xf32, #tpu.memory_space<hbm>>
      tpu.enqueue_dma source(%dma_start3A_26 : memref<640x8xf32, #tpu.memory_space<hbm>>) target(%dma_start3A_24 : memref<640x8xf32, #tpu.memory_space<vmem_shared>>) target_semaphore(%run_scoped3A : memref<!tpu.dma_semaphore, #tpu.memory_space<semaphore_mem>>)
      %dma_wait3A_27 = arith.constant 0 : i32
      %dma_wait3A_28 = tpu.memref_slice %arg12[%mul3A_4, %dma_wait3A_27] : memref<10240x8xf32, #tpu.memory_space<vmem_shared>> -> memref<640x8xf32, #tpu.memory_space<vmem_shared>>
      %dma_wait3A_29 = arith.constant 0 : i32
      %dma_wait3A_30 = tpu.memref_slice %arg4[%mul3A_4, %dma_wait3A_29] : memref<10240x8xf32, #tpu.memory_space<hbm>> -> memref<640x8xf32, #tpu.memory_space<hbm>>
      tpu.wait_dma2 semaphore(%run_scoped3A : memref<!tpu.dma_semaphore, #tpu.memory_space<semaphore_mem>>) src(%dma_wait3A_30 : memref<640x8xf32, #tpu.memory_space<hbm>>) dst(%dma_wait3A_28 : memref<640x8xf32, #tpu.memory_space<vmem_shared>>)
      tpu.yield
    }) : () -> ()
    %barrier3A = arith.constant 0 : index
    tpu.barrier barrier_id(%barrier3A)
    %dma_start3A = tpu.memref_slice %arg3[%mul3A_2] : memref<160000xi32, #tpu.memory_space<hbm>> -> memref<128xi32, #tpu.memory_space<hbm>>
    %dma_start3A_5 = tpu.memref_slice %arg3[%mul3A_2] : memref<160000xi32, #tpu.memory_space<hbm>> -> memref<128xi32, #tpu.memory_space<hbm>>
    tpu.enqueue_dma source(%dma_start3A_5 : memref<128xi32, #tpu.memory_space<hbm>>) target(%arg6 : memref<128xi32, #tpu.memory_space<vmem>>) target_semaphore(%arg13 : memref<!tpu.dma_semaphore, #tpu.memory_space<semaphore_mem>>)
    %dma_start3A_6 = arith.constant 0 : i32
    %dma_start3A_7 = tpu.memref_slice %arg2[%mul3A_2, %dma_start3A_6] : memref<160000x8xf32, #tpu.memory_space<hbm>> -> memref<128x8xf32, #tpu.memory_space<hbm>>
    %dma_start3A_8 = arith.constant 0 : i32
    %dma_start3A_9 = tpu.memref_slice %arg2[%mul3A_2, %dma_start3A_8] : memref<160000x8xf32, #tpu.memory_space<hbm>> -> memref<128x8xf32, #tpu.memory_space<hbm>>
    tpu.enqueue_dma source(%dma_start3A_9 : memref<128x8xf32, #tpu.memory_space<hbm>>) target(%arg7 : memref<128x8xf32, #tpu.memory_space<vmem>>) target_semaphore(%arg13 : memref<!tpu.dma_semaphore, #tpu.memory_space<semaphore_mem>>)
    %scan3A = arith.constant 0 : i32
    %scan3A_10 = arith.constant 0 : i32
    %scan3A_11 = arith.constant 19 : i32
    %scan3A_12 = arith.addi %scan3A_10, %scan3A_11 : i32
    %scan3A_13 = arith.constant 1 : i32
    scf.for %scan3A_23 = %scan3A_10 to %scan3A_12 step %scan3A_13  : i32 {
      %mul3A_24 = arith.constant 2 : i32
      %mul3A_25 = arith.muli %mul3A_24, %scan3A_23 : i32
      %add3A_26 = arith.constant 1 : i32
      %add3A_27 = arith.addi %mul3A_25, %add3A_26 : i32
      %mul3A_28 = arith.constant 128 : i32
      %mul3A_29 = arith.muli %add3A_27, %mul3A_28 : i32
      %add3A_30 = arith.addi %mul3A_2, %mul3A_29 : i32
      %dma_start3A_31 = tpu.memref_slice %arg3[%add3A_30] : memref<160000xi32, #tpu.memory_space<hbm>> -> memref<128xi32, #tpu.memory_space<hbm>>
      %dma_start3A_32 = tpu.memref_slice %arg3[%add3A_30] : memref<160000xi32, #tpu.memory_space<hbm>> -> memref<128xi32, #tpu.memory_space<hbm>>
      tpu.enqueue_dma source(%dma_start3A_32 : memref<128xi32, #tpu.memory_space<hbm>>) target(%arg8 : memref<128xi32, #tpu.memory_space<vmem>>) target_semaphore(%arg14 : memref<!tpu.dma_semaphore, #tpu.memory_space<semaphore_mem>>)
      %dma_start3A_33 = arith.constant 0 : i32
      %dma_start3A_34 = tpu.memref_slice %arg2[%add3A_30, %dma_start3A_33] : memref<160000x8xf32, #tpu.memory_space<hbm>> -> memref<128x8xf32, #tpu.memory_space<hbm>>
      %dma_start3A_35 = arith.constant 0 : i32
      %dma_start3A_36 = tpu.memref_slice %arg2[%add3A_30, %dma_start3A_35] : memref<160000x8xf32, #tpu.memory_space<hbm>> -> memref<128x8xf32, #tpu.memory_space<hbm>>
      tpu.enqueue_dma source(%dma_start3A_36 : memref<128x8xf32, #tpu.memory_space<hbm>>) target(%arg9 : memref<128x8xf32, #tpu.memory_space<vmem>>) target_semaphore(%arg14 : memref<!tpu.dma_semaphore, #tpu.memory_space<semaphore_mem>>)
      %dma_wait3A_37 = tpu.memref_slice %arg3[%mul3A_2] : memref<160000xi32, #tpu.memory_space<hbm>> -> memref<128xi32, #tpu.memory_space<hbm>>
      %dma_wait3A_38 = tpu.memref_slice %arg3[%mul3A_2] : memref<160000xi32, #tpu.memory_space<hbm>> -> memref<128xi32, #tpu.memory_space<hbm>>
      tpu.wait_dma2 semaphore(%arg13 : memref<!tpu.dma_semaphore, #tpu.memory_space<semaphore_mem>>) src(%dma_wait3A_38 : memref<128xi32, #tpu.memory_space<hbm>>) dst(%arg6 : memref<128xi32, #tpu.memory_space<vmem>>)
      %dma_wait3A_39 = arith.constant 0 : i32
      %dma_wait3A_40 = tpu.memref_slice %arg2[%mul3A_2, %dma_wait3A_39] : memref<160000x8xf32, #tpu.memory_space<hbm>> -> memref<128x8xf32, #tpu.memory_space<hbm>>
      %dma_wait3A_41 = arith.constant 0 : i32
      %dma_wait3A_42 = tpu.memref_slice %arg2[%mul3A_2, %dma_wait3A_41] : memref<160000x8xf32, #tpu.memory_space<hbm>> -> memref<128x8xf32, #tpu.memory_space<hbm>>
      tpu.wait_dma2 semaphore(%arg13 : memref<!tpu.dma_semaphore, #tpu.memory_space<semaphore_mem>>) src(%dma_wait3A_42 : memref<128x8xf32, #tpu.memory_space<hbm>>) dst(%arg7 : memref<128x8xf32, #tpu.memory_space<vmem>>)
      "tpu.region"() ({
        %run_scoped3A = tpu.sem_alloc : memref<!tpu.dma_semaphore, #tpu.memory_space<semaphore_mem>>
        %dma_start3A_53 = arith.constant 0 : i32
        %dma_start3A_54 = arith.constant 0 : i32
        %dma_start3A_55 = tpu.memref_slice %arg12[%dma_start3A_53, %dma_start3A_54] : memref<10240x8xf32, #tpu.memory_space<vmem_shared>> -> memref<10240x8xf32, #tpu.memory_space<vmem_shared>>
        tpu.enqueue_indirect_dma source(%arg7 : memref<128x8xf32, #tpu.memory_space<vmem>>) target(%dma_start3A_55 : memref<10240x8xf32, #tpu.memory_space<vmem_shared>>) offsets(%arg6 : memref<128xi32, #tpu.memory_space<vmem>>) semaphore(%run_scoped3A : memref<!tpu.dma_semaphore, #tpu.memory_space<semaphore_mem>>) {add = true}
        %dma_wait3A_56 = arith.constant 0 : i32
        %dma_wait3A_57 = arith.constant 0 : i32
        %dma_wait3A_58 = tpu.memref_slice %arg12[%dma_wait3A_56, %dma_wait3A_57] : memref<10240x8xf32, #tpu.memory_space<vmem_shared>> -> memref<10240x8xf32, #tpu.memory_space<vmem_shared>>
        tpu.wait_indirect_dma semaphore(%run_scoped3A : memref<!tpu.dma_semaphore, #tpu.memory_space<semaphore_mem>>) src(%arg7 : memref<128x8xf32, #tpu.memory_space<vmem>>) dst(%dma_wait3A_58 : memref<10240x8xf32, #tpu.memory_space<vmem_shared>>)
        tpu.yield
      }) : () -> ()
      %add3A_43 = arith.constant 2 : i32
      %add3A_44 = arith.addi %mul3A_25, %add3A_43 : i32
      %lt3A = arith.constant 39 : i32
      %lt3A_45 = arith.cmpi slt, %add3A_44, %lt3A : i32
      %convert_element_type3A = arith.extui %lt3A_45 : i1 to i32
      %cond3A = arith.constant 0 : i32
      %cond3A_46 = arith.cmpi ne, %convert_element_type3A, %cond3A : i32
      scf.if %cond3A_46 {
        %add3A_53 = arith.constant 2 : i32
        %add3A_54 = arith.addi %mul3A_25, %add3A_53 : i32
        %mul3A_55 = arith.constant 128 : i32
        %mul3A_56 = arith.muli %add3A_54, %mul3A_55 : i32
        %add3A_57 = arith.addi %mul3A_2, %mul3A_56 : i32
        %dma_start3A_58 = tpu.memref_slice %arg3[%add3A_57] : memref<160000xi32, #tpu.memory_space<hbm>> -> memref<128xi32, #tpu.memory_space<hbm>>
        %dma_start3A_59 = tpu.memref_slice %arg3[%add3A_57] : memref<160000xi32, #tpu.memory_space<hbm>> -> memref<128xi32, #tpu.memory_space<hbm>>
        tpu.enqueue_dma source(%dma_start3A_59 : memref<128xi32, #tpu.memory_space<hbm>>) target(%arg6 : memref<128xi32, #tpu.memory_space<vmem>>) target_semaphore(%arg13 : memref<!tpu.dma_semaphore, #tpu.memory_space<semaphore_mem>>)
        %dma_start3A_60 = arith.constant 0 : i32
        %dma_start3A_61 = tpu.memref_slice %arg2[%add3A_57, %dma_start3A_60] : memref<160000x8xf32, #tpu.memory_space<hbm>> -> memref<128x8xf32, #tpu.memory_space<hbm>>
        %dma_start3A_62 = arith.constant 0 : i32
        %dma_start3A_63 = tpu.memref_slice %arg2[%add3A_57, %dma_start3A_62] : memref<160000x8xf32, #tpu.memory_space<hbm>> -> memref<128x8xf32, #tpu.memory_space<hbm>>
        tpu.enqueue_dma source(%dma_start3A_63 : memref<128x8xf32, #tpu.memory_space<hbm>>) target(%arg7 : memref<128x8xf32, #tpu.memory_space<vmem>>) target_semaphore(%arg13 : memref<!tpu.dma_semaphore, #tpu.memory_space<semaphore_mem>>)
      } else {
      }
      %dma_wait3A_47 = tpu.memref_slice %arg3[%mul3A_2] : memref<160000xi32, #tpu.memory_space<hbm>> -> memref<128xi32, #tpu.memory_space<hbm>>
      %dma_wait3A_48 = tpu.memref_slice %arg3[%mul3A_2] : memref<160000xi32, #tpu.memory_space<hbm>> -> memref<128xi32, #tpu.memory_space<hbm>>
      tpu.wait_dma2 semaphore(%arg14 : memref<!tpu.dma_semaphore, #tpu.memory_space<semaphore_mem>>) src(%dma_wait3A_48 : memref<128xi32, #tpu.memory_space<hbm>>) dst(%arg8 : memref<128xi32, #tpu.memory_space<vmem>>)
      %dma_wait3A_49 = arith.constant 0 : i32
      %dma_wait3A_50 = tpu.memref_slice %arg2[%mul3A_2, %dma_wait3A_49] : memref<160000x8xf32, #tpu.memory_space<hbm>> -> memref<128x8xf32, #tpu.memory_space<hbm>>
      %dma_wait3A_51 = arith.constant 0 : i32
      %dma_wait3A_52 = tpu.memref_slice %arg2[%mul3A_2, %dma_wait3A_51] : memref<160000x8xf32, #tpu.memory_space<hbm>> -> memref<128x8xf32, #tpu.memory_space<hbm>>
      tpu.wait_dma2 semaphore(%arg14 : memref<!tpu.dma_semaphore, #tpu.memory_space<semaphore_mem>>) src(%dma_wait3A_52 : memref<128x8xf32, #tpu.memory_space<hbm>>) dst(%arg9 : memref<128x8xf32, #tpu.memory_space<vmem>>)
      "tpu.region"() ({
        %run_scoped3A = tpu.sem_alloc : memref<!tpu.dma_semaphore, #tpu.memory_space<semaphore_mem>>
        %dma_start3A_53 = arith.constant 0 : i32
        %dma_start3A_54 = arith.constant 0 : i32
        %dma_start3A_55 = tpu.memref_slice %arg12[%dma_start3A_53, %dma_start3A_54] : memref<10240x8xf32, #tpu.memory_space<vmem_shared>> -> memref<10240x8xf32, #tpu.memory_space<vmem_shared>>
        tpu.enqueue_indirect_dma source(%arg9 : memref<128x8xf32, #tpu.memory_space<vmem>>) target(%dma_start3A_55 : memref<10240x8xf32, #tpu.memory_space<vmem_shared>>) offsets(%arg8 : memref<128xi32, #tpu.memory_space<vmem>>) semaphore(%run_scoped3A : memref<!tpu.dma_semaphore, #tpu.memory_space<semaphore_mem>>) {add = true}
        %dma_wait3A_56 = arith.constant 0 : i32
        %dma_wait3A_57 = arith.constant 0 : i32
        %dma_wait3A_58 = tpu.memref_slice %arg12[%dma_wait3A_56, %dma_wait3A_57] : memref<10240x8xf32, #tpu.memory_space<vmem_shared>> -> memref<10240x8xf32, #tpu.memory_space<vmem_shared>>
        tpu.wait_indirect_dma semaphore(%run_scoped3A : memref<!tpu.dma_semaphore, #tpu.memory_space<semaphore_mem>>) src(%arg9 : memref<128x8xf32, #tpu.memory_space<vmem>>) dst(%dma_wait3A_58 : memref<10240x8xf32, #tpu.memory_space<vmem_shared>>)
        tpu.yield
      }) : () -> ()
    }
    %scan3A_14 = arith.constant 19 : i32
    %dma_wait3A = tpu.memref_slice %arg3[%mul3A_2] : memref<160000xi32, #tpu.memory_space<hbm>> -> memref<128xi32, #tpu.memory_space<hbm>>
    %dma_wait3A_15 = tpu.memref_slice %arg3[%mul3A_2] : memref<160000xi32, #tpu.memory_space<hbm>> -> memref<128xi32, #tpu.memory_space<hbm>>
    tpu.wait_dma2 semaphore(%arg13 : memref<!tpu.dma_semaphore, #tpu.memory_space<semaphore_mem>>) src(%dma_wait3A_15 : memref<128xi32, #tpu.memory_space<hbm>>) dst(%arg6 : memref<128xi32, #tpu.memory_space<vmem>>)
    %dma_wait3A_16 = arith.constant 0 : i32
    %dma_wait3A_17 = tpu.memref_slice %arg2[%mul3A_2, %dma_wait3A_16] : memref<160000x8xf32, #tpu.memory_space<hbm>> -> memref<128x8xf32, #tpu.memory_space<hbm>>
    %dma_wait3A_18 = arith.constant 0 : i32
    %dma_wait3A_19 = tpu.memref_slice %arg2[%mul3A_2, %dma_wait3A_18] : memref<160000x8xf32, #tpu.memory_space<hbm>> -> memref<128x8xf32, #tpu.memory_space<hbm>>
    tpu.wait_dma2 semaphore(%arg13 : memref<!tpu.dma_semaphore, #tpu.memory_space<semaphore_mem>>) src(%dma_wait3A_19 : memref<128x8xf32, #tpu.memory_space<hbm>>) dst(%arg7 : memref<128x8xf32, #tpu.memory_space<vmem>>)
    "tpu.region"() ({
      %run_scoped3A = tpu.sem_alloc : memref<!tpu.dma_semaphore, #tpu.memory_space<semaphore_mem>>
      %dma_start3A_23 = arith.constant 0 : i32
      %dma_start3A_24 = arith.constant 0 : i32
      %dma_start3A_25 = tpu.memref_slice %arg12[%dma_start3A_23, %dma_start3A_24] : memref<10240x8xf32, #tpu.memory_space<vmem_shared>> -> memref<10240x8xf32, #tpu.memory_space<vmem_shared>>
      tpu.enqueue_indirect_dma source(%arg7 : memref<128x8xf32, #tpu.memory_space<vmem>>) target(%dma_start3A_25 : memref<10240x8xf32, #tpu.memory_space<vmem_shared>>) offsets(%arg6 : memref<128xi32, #tpu.memory_space<vmem>>) semaphore(%run_scoped3A : memref<!tpu.dma_semaphore, #tpu.memory_space<semaphore_mem>>) {add = true}
      %dma_wait3A_26 = arith.constant 0 : i32
      %dma_wait3A_27 = arith.constant 0 : i32
      %dma_wait3A_28 = tpu.memref_slice %arg12[%dma_wait3A_26, %dma_wait3A_27] : memref<10240x8xf32, #tpu.memory_space<vmem_shared>> -> memref<10240x8xf32, #tpu.memory_space<vmem_shared>>
      tpu.wait_indirect_dma semaphore(%run_scoped3A : memref<!tpu.dma_semaphore, #tpu.memory_space<semaphore_mem>>) src(%arg7 : memref<128x8xf32, #tpu.memory_space<vmem>>) dst(%dma_wait3A_28 : memref<10240x8xf32, #tpu.memory_space<vmem_shared>>)
      tpu.yield
    }) : () -> ()
    %add3A_20 = arith.constant 4992 : i32
    %add3A_21 = arith.addi %mul3A_2, %add3A_20 : i32
    "tpu.region"() ({
      %run_scoped3A = tpu.sem_alloc : memref<!tpu.dma_semaphore, #tpu.memory_space<semaphore_mem>>
      %dma_start3A_23 = tpu.memref_slice %arg3[%add3A_21] : memref<160000xi32, #tpu.memory_space<hbm>> -> memref<8xi32, #tpu.memory_space<hbm>>
      %dma_start3A_24 = tpu.memref_slice %arg3[%add3A_21] : memref<160000xi32, #tpu.memory_space<hbm>> -> memref<8xi32, #tpu.memory_space<hbm>>
      tpu.enqueue_dma source(%dma_start3A_24 : memref<8xi32, #tpu.memory_space<hbm>>) target(%arg10 : memref<8xi32, #tpu.memory_space<vmem>>) target_semaphore(%run_scoped3A : memref<!tpu.dma_semaphore, #tpu.memory_space<semaphore_mem>>)
      %dma_wait3A_25 = tpu.memref_slice %arg3[%add3A_21] : memref<160000xi32, #tpu.memory_space<hbm>> -> memref<8xi32, #tpu.memory_space<hbm>>
      %dma_wait3A_26 = tpu.memref_slice %arg3[%add3A_21] : memref<160000xi32, #tpu.memory_space<hbm>> -> memref<8xi32, #tpu.memory_space<hbm>>
      tpu.wait_dma2 semaphore(%run_scoped3A : memref<!tpu.dma_semaphore, #tpu.memory_space<semaphore_mem>>) src(%dma_wait3A_26 : memref<8xi32, #tpu.memory_space<hbm>>) dst(%arg10 : memref<8xi32, #tpu.memory_space<vmem>>)
      tpu.yield
    }) : () -> ()
    "tpu.region"() ({
      %run_scoped3A = tpu.sem_alloc : memref<!tpu.dma_semaphore, #tpu.memory_space<semaphore_mem>>
      %dma_start3A_23 = arith.constant 0 : i32
      %dma_start3A_24 = tpu.memref_slice %arg2[%add3A_21, %dma_start3A_23] : memref<160000x8xf32, #tpu.memory_space<hbm>> -> memref<8x8xf32, #tpu.memory_space<hbm>>
      %dma_start3A_25 = arith.constant 0 : i32
      %dma_start3A_26 = tpu.memref_slice %arg2[%add3A_21, %dma_start3A_25] : memref<160000x8xf32, #tpu.memory_space<hbm>> -> memref<8x8xf32, #tpu.memory_space<hbm>>
      tpu.enqueue_dma source(%dma_start3A_26 : memref<8x8xf32, #tpu.memory_space<hbm>>) target(%arg11 : memref<8x8xf32, #tpu.memory_space<vmem>>) target_semaphore(%run_scoped3A : memref<!tpu.dma_semaphore, #tpu.memory_space<semaphore_mem>>)
      %dma_wait3A_27 = arith.constant 0 : i32
      %dma_wait3A_28 = tpu.memref_slice %arg2[%add3A_21, %dma_wait3A_27] : memref<160000x8xf32, #tpu.memory_space<hbm>> -> memref<8x8xf32, #tpu.memory_space<hbm>>
      %dma_wait3A_29 = arith.constant 0 : i32
      %dma_wait3A_30 = tpu.memref_slice %arg2[%add3A_21, %dma_wait3A_29] : memref<160000x8xf32, #tpu.memory_space<hbm>> -> memref<8x8xf32, #tpu.memory_space<hbm>>
      tpu.wait_dma2 semaphore(%run_scoped3A : memref<!tpu.dma_semaphore, #tpu.memory_space<semaphore_mem>>) src(%dma_wait3A_30 : memref<8x8xf32, #tpu.memory_space<hbm>>) dst(%arg11 : memref<8x8xf32, #tpu.memory_space<vmem>>)
      tpu.yield
    }) : () -> ()
    "tpu.region"() ({
      %run_scoped3A = tpu.sem_alloc : memref<!tpu.dma_semaphore, #tpu.memory_space<semaphore_mem>>
      %dma_start3A_23 = arith.constant 0 : i32
      %dma_start3A_24 = arith.constant 0 : i32
      %dma_start3A_25 = tpu.memref_slice %arg12[%dma_start3A_23, %dma_start3A_24] : memref<10240x8xf32, #tpu.memory_space<vmem_shared>> -> memref<10240x8xf32, #tpu.memory_space<vmem_shared>>
      tpu.enqueue_indirect_dma source(%arg11 : memref<8x8xf32, #tpu.memory_space<vmem>>) target(%dma_start3A_25 : memref<10240x8xf32, #tpu.memory_space<vmem_shared>>) offsets(%arg10 : memref<8xi32, #tpu.memory_space<vmem>>) semaphore(%run_scoped3A : memref<!tpu.dma_semaphore, #tpu.memory_space<semaphore_mem>>) {add = true}
      %dma_wait3A_26 = arith.constant 0 : i32
      %dma_wait3A_27 = arith.constant 0 : i32
      %dma_wait3A_28 = tpu.memref_slice %arg12[%dma_wait3A_26, %dma_wait3A_27] : memref<10240x8xf32, #tpu.memory_space<vmem_shared>> -> memref<10240x8xf32, #tpu.memory_space<vmem_shared>>
      tpu.wait_indirect_dma semaphore(%run_scoped3A : memref<!tpu.dma_semaphore, #tpu.memory_space<semaphore_mem>>) src(%arg11 : memref<8x8xf32, #tpu.memory_space<vmem>>) dst(%dma_wait3A_28 : memref<10240x8xf32, #tpu.memory_space<vmem_shared>>)
      tpu.yield
    }) : () -> ()
    %barrier3A_22 = arith.constant 0 : index
    tpu.barrier barrier_id(%barrier3A_22)
    "tpu.region"() ({
      %run_scoped3A = tpu.sem_alloc : memref<!tpu.dma_semaphore, #tpu.memory_space<semaphore_mem>>
      %dma_start3A_23 = arith.constant 0 : i32
      %dma_start3A_24 = tpu.memref_slice %arg5[%arg0, %mul3A_4, %dma_start3A_23] : memref<2x10240x8xf32, #tpu.memory_space<hbm>> -> memref<1x640x8xf32, #tpu.memory_space<hbm>>
      %dma_start3A_25 = tpu.memref_squeeze %dma_start3A_24 : memref<1x640x8xf32, #tpu.memory_space<hbm>> -> memref<640x8xf32, #tpu.memory_space<hbm>>
      %dma_start3A_26 = arith.constant 0 : i32
      %dma_start3A_27 = tpu.memref_slice %arg12[%mul3A_4, %dma_start3A_26] : memref<10240x8xf32, #tpu.memory_space<vmem_shared>> -> memref<640x8xf32, #tpu.memory_space<vmem_shared>>
      tpu.enqueue_dma source(%dma_start3A_27 : memref<640x8xf32, #tpu.memory_space<vmem_shared>>) target(%dma_start3A_25 : memref<640x8xf32, #tpu.memory_space<hbm>>) target_semaphore(%run_scoped3A : memref<!tpu.dma_semaphore, #tpu.memory_space<semaphore_mem>>)
      %dma_wait3A_28 = arith.constant 0 : i32
      %dma_wait3A_29 = tpu.memref_slice %arg5[%arg0, %mul3A_4, %dma_wait3A_28] : memref<2x10240x8xf32, #tpu.memory_space<hbm>> -> memref<1x640x8xf32, #tpu.memory_space<hbm>>
      %dma_wait3A_30 = tpu.memref_squeeze %dma_wait3A_29 : memref<1x640x8xf32, #tpu.memory_space<hbm>> -> memref<640x8xf32, #tpu.memory_space<hbm>>
      %dma_wait3A_31 = arith.constant 0 : i32
      %dma_wait3A_32 = tpu.memref_slice %arg12[%mul3A_4, %dma_wait3A_31] : memref<10240x8xf32, #tpu.memory_space<vmem_shared>> -> memref<640x8xf32, #tpu.memory_space<vmem_shared>>
      tpu.wait_dma2 semaphore(%run_scoped3A : memref<!tpu.dma_semaphore, #tpu.memory_space<semaphore_mem>>) src(%dma_wait3A_32 : memref<640x8xf32, #tpu.memory_space<vmem_shared>>) dst(%dma_wait3A_30 : memref<640x8xf32, #tpu.memory_space<hbm>>)
      tpu.yield
    }) : () -> ()
    return
  }
}

#map = affine_map<(d0, d1) -> (0)>
#map1 = affine_map<(d0, d1) -> (0, 0)>
module attributes {stable_mosaic.version = 14 : i64} {
  func.func @_sc_cls_gather_h_body(%arg0: i32, %arg1: i32, %arg2: memref<102400xi32, #tpu.memory_space<hbm>>, %arg3: memref<102400xi32, #tpu.memory_space<hbm>>, %arg4: memref<10240x16xf32, #tpu.memory_space<hbm>>, %arg5: memref<102400xi32, #tpu.memory_space<hbm>>, %arg6: memref<160000x16xf32, #tpu.memory_space<hbm>>, %arg7: memref<102400x16xf32, #tpu.memory_space<hbm>>, %arg8: memref<102400x16xf32, #tpu.memory_space<hbm>>, %arg9: memref<102400x16xf32, #tpu.memory_space<hbm>>, %arg10: memref<3200xi32, #tpu.memory_space<vmem>>, %arg11: memref<3200xi32, #tpu.memory_space<vmem>>, %arg12: memref<3200xi32, #tpu.memory_space<vmem>>, %arg13: memref<128x16xf32, #tpu.memory_space<vmem>>, %arg14: memref<128x16xf32, #tpu.memory_space<vmem>>, %arg15: memref<128x16xf32, #tpu.memory_space<vmem>>, %arg16: memref<128x16xf32, #tpu.memory_space<vmem>>, %arg17: memref<128x16xf32, #tpu.memory_space<vmem>>, %arg18: memref<128x16xf32, #tpu.memory_space<vmem>>, %arg19: memref<!tpu.dma_semaphore, #tpu.memory_space<semaphore_mem>>, %arg20: memref<!tpu.dma_semaphore, #tpu.memory_space<semaphore_mem>>) attributes {dimension_semantics = [#tpu.dimension_semantics<core_parallel>, #tpu.dimension_semantics<subcore_parallel>], iteration_bounds = array<i64: 2, 16>, scalar_prefetch = 0 : i64, scratch_operands = 11 : i64, tpu.core_type = #tpu.core_type<sc_vector_subcore>, window_params = [{transform_indices = #map}, {transform_indices = #map}, {transform_indices = #map1}, {transform_indices = #map}, {transform_indices = #map1}, {transform_indices = #map1}, {transform_indices = #map1}, {transform_indices = #map1}]} {
    %mul3A = arith.constant 2 : i32
    %mul3A_0 = arith.muli %arg1, %mul3A : i32
    %add3A = arith.addi %mul3A_0, %arg0 : i32
    %mul3A_1 = arith.constant 25 : i32
    %mul3A_2 = arith.muli %add3A, %mul3A_1 : i32
    %mul3A_3 = arith.constant 128 : i32
    %mul3A_4 = arith.muli %mul3A_2, %mul3A_3 : i32
    "tpu.region"() ({
      %run_scoped3A = tpu.sem_alloc : memref<!tpu.dma_semaphore, #tpu.memory_space<semaphore_mem>>
      %dma_start3A_40 = tpu.memref_slice %arg2[%mul3A_4] : memref<102400xi32, #tpu.memory_space<hbm>> -> memref<3200xi32, #tpu.memory_space<hbm>>
      %dma_start3A_41 = tpu.memref_slice %arg2[%mul3A_4] : memref<102400xi32, #tpu.memory_space<hbm>> -> memref<3200xi32, #tpu.memory_space<hbm>>
      tpu.enqueue_dma source(%dma_start3A_41 : memref<3200xi32, #tpu.memory_space<hbm>>) target(%arg10 : memref<3200xi32, #tpu.memory_space<vmem>>) target_semaphore(%run_scoped3A : memref<!tpu.dma_semaphore, #tpu.memory_space<semaphore_mem>>)
      %dma_wait3A_42 = tpu.memref_slice %arg2[%mul3A_4] : memref<102400xi32, #tpu.memory_space<hbm>> -> memref<3200xi32, #tpu.memory_space<hbm>>
      %dma_wait3A_43 = tpu.memref_slice %arg2[%mul3A_4] : memref<102400xi32, #tpu.memory_space<hbm>> -> memref<3200xi32, #tpu.memory_space<hbm>>
      tpu.wait_dma2 semaphore(%run_scoped3A : memref<!tpu.dma_semaphore, #tpu.memory_space<semaphore_mem>>) src(%dma_wait3A_43 : memref<3200xi32, #tpu.memory_space<hbm>>) dst(%arg10 : memref<3200xi32, #tpu.memory_space<vmem>>)
      tpu.yield
    }) : () -> ()
    "tpu.region"() ({
      %run_scoped3A = tpu.sem_alloc : memref<!tpu.dma_semaphore, #tpu.memory_space<semaphore_mem>>
      %dma_start3A_40 = tpu.memref_slice %arg3[%mul3A_4] : memref<102400xi32, #tpu.memory_space<hbm>> -> memref<3200xi32, #tpu.memory_space<hbm>>
      %dma_start3A_41 = tpu.memref_slice %arg3[%mul3A_4] : memref<102400xi32, #tpu.memory_space<hbm>> -> memref<3200xi32, #tpu.memory_space<hbm>>
      tpu.enqueue_dma source(%dma_start3A_41 : memref<3200xi32, #tpu.memory_space<hbm>>) target(%arg11 : memref<3200xi32, #tpu.memory_space<vmem>>) target_semaphore(%run_scoped3A : memref<!tpu.dma_semaphore, #tpu.memory_space<semaphore_mem>>)
      %dma_wait3A_42 = tpu.memref_slice %arg3[%mul3A_4] : memref<102400xi32, #tpu.memory_space<hbm>> -> memref<3200xi32, #tpu.memory_space<hbm>>
      %dma_wait3A_43 = tpu.memref_slice %arg3[%mul3A_4] : memref<102400xi32, #tpu.memory_space<hbm>> -> memref<3200xi32, #tpu.memory_space<hbm>>
      tpu.wait_dma2 semaphore(%run_scoped3A : memref<!tpu.dma_semaphore, #tpu.memory_space<semaphore_mem>>) src(%dma_wait3A_43 : memref<3200xi32, #tpu.memory_space<hbm>>) dst(%arg11 : memref<3200xi32, #tpu.memory_space<vmem>>)
      tpu.yield
    }) : () -> ()
    "tpu.region"() ({
      %run_scoped3A = tpu.sem_alloc : memref<!tpu.dma_semaphore, #tpu.memory_space<semaphore_mem>>
      %dma_start3A_40 = tpu.memref_slice %arg5[%mul3A_4] : memref<102400xi32, #tpu.memory_space<hbm>> -> memref<3200xi32, #tpu.memory_space<hbm>>
      %dma_start3A_41 = tpu.memref_slice %arg5[%mul3A_4] : memref<102400xi32, #tpu.memory_space<hbm>> -> memref<3200xi32, #tpu.memory_space<hbm>>
      tpu.enqueue_dma source(%dma_start3A_41 : memref<3200xi32, #tpu.memory_space<hbm>>) target(%arg12 : memref<3200xi32, #tpu.memory_space<vmem>>) target_semaphore(%run_scoped3A : memref<!tpu.dma_semaphore, #tpu.memory_space<semaphore_mem>>)
      %dma_wait3A_42 = tpu.memref_slice %arg5[%mul3A_4] : memref<102400xi32, #tpu.memory_space<hbm>> -> memref<3200xi32, #tpu.memory_space<hbm>>
      %dma_wait3A_43 = tpu.memref_slice %arg5[%mul3A_4] : memref<102400xi32, #tpu.memory_space<hbm>> -> memref<3200xi32, #tpu.memory_space<hbm>>
      tpu.wait_dma2 semaphore(%run_scoped3A : memref<!tpu.dma_semaphore, #tpu.memory_space<semaphore_mem>>) src(%dma_wait3A_43 : memref<3200xi32, #tpu.memory_space<hbm>>) dst(%arg12 : memref<3200xi32, #tpu.memory_space<vmem>>)
      tpu.yield
    }) : () -> ()
    %dma_start3A = arith.constant 0 : i32
    %dma_start3A_5 = tpu.memref_slice %arg10[%dma_start3A] : memref<3200xi32, #tpu.memory_space<vmem>> -> memref<128xi32, #tpu.memory_space<vmem>>
    %dma_start3A_6 = arith.constant 0 : i32
    %dma_start3A_7 = arith.constant 0 : i32
    %dma_start3A_8 = tpu.memref_slice %arg4[%dma_start3A_6, %dma_start3A_7] : memref<10240x16xf32, #tpu.memory_space<hbm>> -> memref<10240x16xf32, #tpu.memory_space<hbm>>
    tpu.enqueue_indirect_dma source(%dma_start3A_8 : memref<10240x16xf32, #tpu.memory_space<hbm>>) target(%arg13 : memref<128x16xf32, #tpu.memory_space<vmem>>) offsets(%dma_start3A_5 : memref<128xi32, #tpu.memory_space<vmem>>) semaphore(%arg19 : memref<!tpu.dma_semaphore, #tpu.memory_space<semaphore_mem>>)
    %dma_start3A_9 = arith.constant 0 : i32
    %dma_start3A_10 = tpu.memref_slice %arg11[%dma_start3A_9] : memref<3200xi32, #tpu.memory_space<vmem>> -> memref<128xi32, #tpu.memory_space<vmem>>
    %dma_start3A_11 = arith.constant 0 : i32
    %dma_start3A_12 = arith.constant 0 : i32
    %dma_start3A_13 = tpu.memref_slice %arg4[%dma_start3A_11, %dma_start3A_12] : memref<10240x16xf32, #tpu.memory_space<hbm>> -> memref<10240x16xf32, #tpu.memory_space<hbm>>
    tpu.enqueue_indirect_dma source(%dma_start3A_13 : memref<10240x16xf32, #tpu.memory_space<hbm>>) target(%arg14 : memref<128x16xf32, #tpu.memory_space<vmem>>) offsets(%dma_start3A_10 : memref<128xi32, #tpu.memory_space<vmem>>) semaphore(%arg19 : memref<!tpu.dma_semaphore, #tpu.memory_space<semaphore_mem>>)
    %dma_start3A_14 = arith.constant 0 : i32
    %dma_start3A_15 = tpu.memref_slice %arg12[%dma_start3A_14] : memref<3200xi32, #tpu.memory_space<vmem>> -> memref<128xi32, #tpu.memory_space<vmem>>
    %dma_start3A_16 = arith.constant 0 : i32
    %dma_start3A_17 = arith.constant 0 : i32
    %dma_start3A_18 = tpu.memref_slice %arg6[%dma_start3A_16, %dma_start3A_17] : memref<160000x16xf32, #tpu.memory_space<hbm>> -> memref<160000x16xf32, #tpu.memory_space<hbm>>
    tpu.enqueue_indirect_dma source(%dma_start3A_18 : memref<160000x16xf32, #tpu.memory_space<hbm>>) target(%arg15 : memref<128x16xf32, #tpu.memory_space<vmem>>) offsets(%dma_start3A_15 : memref<128xi32, #tpu.memory_space<vmem>>) semaphore(%arg19 : memref<!tpu.dma_semaphore, #tpu.memory_space<semaphore_mem>>)
    %scan3A = arith.constant 0 : i32
    %scan3A_19 = arith.constant 0 : i32
    %scan3A_20 = arith.constant 12 : i32
    %scan3A_21 = arith.addi %scan3A_19, %scan3A_20 : i32
    %scan3A_22 = arith.constant 1 : i32
    scf.for %scan3A_40 = %scan3A_19 to %scan3A_21 step %scan3A_22  : i32 {
      %mul3A_41 = arith.constant 2 : i32
      %mul3A_42 = arith.muli %mul3A_41, %scan3A_40 : i32
      %add3A_43 = arith.constant 1 : i32
      %add3A_44 = arith.addi %mul3A_42, %add3A_43 : i32
      %mul3A_45 = arith.constant 128 : i32
      %mul3A_46 = arith.muli %add3A_44, %mul3A_45 : i32
      %dma_start3A_47 = tpu.memref_slice %arg10[%mul3A_46] : memref<3200xi32, #tpu.memory_space<vmem>> -> memref<128xi32, #tpu.memory_space<vmem>>
      %dma_start3A_48 = arith.constant 0 : i32
      %dma_start3A_49 = arith.constant 0 : i32
      %dma_start3A_50 = tpu.memref_slice %arg4[%dma_start3A_48, %dma_start3A_49] : memref<10240x16xf32, #tpu.memory_space<hbm>> -> memref<10240x16xf32, #tpu.memory_space<hbm>>
      tpu.enqueue_indirect_dma source(%dma_start3A_50 : memref<10240x16xf32, #tpu.memory_space<hbm>>) target(%arg16 : memref<128x16xf32, #tpu.memory_space<vmem>>) offsets(%dma_start3A_47 : memref<128xi32, #tpu.memory_space<vmem>>) semaphore(%arg20 : memref<!tpu.dma_semaphore, #tpu.memory_space<semaphore_mem>>)
      %mul3A_51 = arith.constant 128 : i32
      %mul3A_52 = arith.muli %add3A_44, %mul3A_51 : i32
      %dma_start3A_53 = tpu.memref_slice %arg11[%mul3A_52] : memref<3200xi32, #tpu.memory_space<vmem>> -> memref<128xi32, #tpu.memory_space<vmem>>
      %dma_start3A_54 = arith.constant 0 : i32
      %dma_start3A_55 = arith.constant 0 : i32
      %dma_start3A_56 = tpu.memref_slice %arg4[%dma_start3A_54, %dma_start3A_55] : memref<10240x16xf32, #tpu.memory_space<hbm>> -> memref<10240x16xf32, #tpu.memory_space<hbm>>
      tpu.enqueue_indirect_dma source(%dma_start3A_56 : memref<10240x16xf32, #tpu.memory_space<hbm>>) target(%arg17 : memref<128x16xf32, #tpu.memory_space<vmem>>) offsets(%dma_start3A_53 : memref<128xi32, #tpu.memory_space<vmem>>) semaphore(%arg20 : memref<!tpu.dma_semaphore, #tpu.memory_space<semaphore_mem>>)
      %mul3A_57 = arith.constant 128 : i32
      %mul3A_58 = arith.muli %add3A_44, %mul3A_57 : i32
      %dma_start3A_59 = tpu.memref_slice %arg12[%mul3A_58] : memref<3200xi32, #tpu.memory_space<vmem>> -> memref<128xi32, #tpu.memory_space<vmem>>
      %dma_start3A_60 = arith.constant 0 : i32
      %dma_start3A_61 = arith.constant 0 : i32
      %dma_start3A_62 = tpu.memref_slice %arg6[%dma_start3A_60, %dma_start3A_61] : memref<160000x16xf32, #tpu.memory_space<hbm>> -> memref<160000x16xf32, #tpu.memory_space<hbm>>
      tpu.enqueue_indirect_dma source(%dma_start3A_62 : memref<160000x16xf32, #tpu.memory_space<hbm>>) target(%arg18 : memref<128x16xf32, #tpu.memory_space<vmem>>) offsets(%dma_start3A_59 : memref<128xi32, #tpu.memory_space<vmem>>) semaphore(%arg20 : memref<!tpu.dma_semaphore, #tpu.memory_space<semaphore_mem>>)
      %dma_wait3A_63 = arith.constant 0 : i32
      %dma_wait3A_64 = tpu.memref_slice %arg10[%dma_wait3A_63] : memref<3200xi32, #tpu.memory_space<vmem>> -> memref<128xi32, #tpu.memory_space<vmem>>
      %dma_wait3A_65 = arith.constant 0 : i32
      %dma_wait3A_66 = arith.constant 0 : i32
      %dma_wait3A_67 = tpu.memref_slice %arg4[%dma_wait3A_65, %dma_wait3A_66] : memref<10240x16xf32, #tpu.memory_space<hbm>> -> memref<10240x16xf32, #tpu.memory_space<hbm>>
      tpu.wait_indirect_dma semaphore(%arg19 : memref<!tpu.dma_semaphore, #tpu.memory_space<semaphore_mem>>) src(%dma_wait3A_67 : memref<10240x16xf32, #tpu.memory_space<hbm>>) dst(%arg13 : memref<128x16xf32, #tpu.memory_space<vmem>>)
      %dma_wait3A_68 = arith.constant 0 : i32
      %dma_wait3A_69 = tpu.memref_slice %arg11[%dma_wait3A_68] : memref<3200xi32, #tpu.memory_space<vmem>> -> memref<128xi32, #tpu.memory_space<vmem>>
      %dma_wait3A_70 = arith.constant 0 : i32
      %dma_wait3A_71 = arith.constant 0 : i32
      %dma_wait3A_72 = tpu.memref_slice %arg4[%dma_wait3A_70, %dma_wait3A_71] : memref<10240x16xf32, #tpu.memory_space<hbm>> -> memref<10240x16xf32, #tpu.memory_space<hbm>>
      tpu.wait_indirect_dma semaphore(%arg19 : memref<!tpu.dma_semaphore, #tpu.memory_space<semaphore_mem>>) src(%dma_wait3A_72 : memref<10240x16xf32, #tpu.memory_space<hbm>>) dst(%arg14 : memref<128x16xf32, #tpu.memory_space<vmem>>)
      %dma_wait3A_73 = arith.constant 0 : i32
      %dma_wait3A_74 = tpu.memref_slice %arg12[%dma_wait3A_73] : memref<3200xi32, #tpu.memory_space<vmem>> -> memref<128xi32, #tpu.memory_space<vmem>>
      %dma_wait3A_75 = arith.constant 0 : i32
      %dma_wait3A_76 = arith.constant 0 : i32
      %dma_wait3A_77 = tpu.memref_slice %arg6[%dma_wait3A_75, %dma_wait3A_76] : memref<160000x16xf32, #tpu.memory_space<hbm>> -> memref<160000x16xf32, #tpu.memory_space<hbm>>
      tpu.wait_indirect_dma semaphore(%arg19 : memref<!tpu.dma_semaphore, #tpu.memory_space<semaphore_mem>>) src(%dma_wait3A_77 : memref<160000x16xf32, #tpu.memory_space<hbm>>) dst(%arg15 : memref<128x16xf32, #tpu.memory_space<vmem>>)
      %mul3A_78 = arith.constant 128 : i32
      %mul3A_79 = arith.muli %mul3A_42, %mul3A_78 : i32
      %add3A_80 = arith.addi %mul3A_4, %mul3A_79 : i32
      "tpu.region"() ({
        %run_scoped3A = tpu.sem_alloc : memref<!tpu.dma_semaphore, #tpu.memory_space<semaphore_mem>>
        %dma_start3A_105 = arith.constant 0 : i32
        %dma_start3A_106 = tpu.memref_slice %arg7[%add3A_80, %dma_start3A_105] : memref<102400x16xf32, #tpu.memory_space<hbm>> -> memref<128x16xf32, #tpu.memory_space<hbm>>
        %dma_start3A_107 = arith.constant 0 : i32
        %dma_start3A_108 = tpu.memref_slice %arg7[%add3A_80, %dma_start3A_107] : memref<102400x16xf32, #tpu.memory_space<hbm>> -> memref<128x16xf32, #tpu.memory_space<hbm>>
        tpu.enqueue_dma source(%arg13 : memref<128x16xf32, #tpu.memory_space<vmem>>) target(%dma_start3A_108 : memref<128x16xf32, #tpu.memory_space<hbm>>) target_semaphore(%run_scoped3A : memref<!tpu.dma_semaphore, #tpu.memory_space<semaphore_mem>>)
        %dma_wait3A_109 = arith.constant 0 : i32
        %dma_wait3A_110 = tpu.memref_slice %arg7[%add3A_80, %dma_wait3A_109] : memref<102400x16xf32, #tpu.memory_space<hbm>> -> memref<128x16xf32, #tpu.memory_space<hbm>>
        %dma_wait3A_111 = arith.constant 0 : i32
        %dma_wait3A_112 = tpu.memref_slice %arg7[%add3A_80, %dma_wait3A_111] : memref<102400x16xf32, #tpu.memory_space<hbm>> -> memref<128x16xf32, #tpu.memory_space<hbm>>
        tpu.wait_dma2 semaphore(%run_scoped3A : memref<!tpu.dma_semaphore, #tpu.memory_space<semaphore_mem>>) src(%arg13 : memref<128x16xf32, #tpu.memory_space<vmem>>) dst(%dma_wait3A_112 : memref<128x16xf32, #tpu.memory_space<hbm>>)
        tpu.yield
      }) : () -> ()
      "tpu.region"() ({
        %run_scoped3A = tpu.sem_alloc : memref<!tpu.dma_semaphore, #tpu.memory_space<semaphore_mem>>
        %dma_start3A_105 = arith.constant 0 : i32
        %dma_start3A_106 = tpu.memref_slice %arg8[%add3A_80, %dma_start3A_105] : memref<102400x16xf32, #tpu.memory_space<hbm>> -> memref<128x16xf32, #tpu.memory_space<hbm>>
        %dma_start3A_107 = arith.constant 0 : i32
        %dma_start3A_108 = tpu.memref_slice %arg8[%add3A_80, %dma_start3A_107] : memref<102400x16xf32, #tpu.memory_space<hbm>> -> memref<128x16xf32, #tpu.memory_space<hbm>>
        tpu.enqueue_dma source(%arg14 : memref<128x16xf32, #tpu.memory_space<vmem>>) target(%dma_start3A_108 : memref<128x16xf32, #tpu.memory_space<hbm>>) target_semaphore(%run_scoped3A : memref<!tpu.dma_semaphore, #tpu.memory_space<semaphore_mem>>)
        %dma_wait3A_109 = arith.constant 0 : i32
        %dma_wait3A_110 = tpu.memref_slice %arg8[%add3A_80, %dma_wait3A_109] : memref<102400x16xf32, #tpu.memory_space<hbm>> -> memref<128x16xf32, #tpu.memory_space<hbm>>
        %dma_wait3A_111 = arith.constant 0 : i32
        %dma_wait3A_112 = tpu.memref_slice %arg8[%add3A_80, %dma_wait3A_111] : memref<102400x16xf32, #tpu.memory_space<hbm>> -> memref<128x16xf32, #tpu.memory_space<hbm>>
        tpu.wait_dma2 semaphore(%run_scoped3A : memref<!tpu.dma_semaphore, #tpu.memory_space<semaphore_mem>>) src(%arg14 : memref<128x16xf32, #tpu.memory_space<vmem>>) dst(%dma_wait3A_112 : memref<128x16xf32, #tpu.memory_space<hbm>>)
        tpu.yield
      }) : () -> ()
      "tpu.region"() ({
        %run_scoped3A = tpu.sem_alloc : memref<!tpu.dma_semaphore, #tpu.memory_space<semaphore_mem>>
        %dma_start3A_105 = arith.constant 0 : i32
        %dma_start3A_106 = tpu.memref_slice %arg9[%add3A_80, %dma_start3A_105] : memref<102400x16xf32, #tpu.memory_space<hbm>> -> memref<128x16xf32, #tpu.memory_space<hbm>>
        %dma_start3A_107 = arith.constant 0 : i32
        %dma_start3A_108 = tpu.memref_slice %arg9[%add3A_80, %dma_start3A_107] : memref<102400x16xf32, #tpu.memory_space<hbm>> -> memref<128x16xf32, #tpu.memory_space<hbm>>
        tpu.enqueue_dma source(%arg15 : memref<128x16xf32, #tpu.memory_space<vmem>>) target(%dma_start3A_108 : memref<128x16xf32, #tpu.memory_space<hbm>>) target_semaphore(%run_scoped3A : memref<!tpu.dma_semaphore, #tpu.memory_space<semaphore_mem>>)
        %dma_wait3A_109 = arith.constant 0 : i32
        %dma_wait3A_110 = tpu.memref_slice %arg9[%add3A_80, %dma_wait3A_109] : memref<102400x16xf32, #tpu.memory_space<hbm>> -> memref<128x16xf32, #tpu.memory_space<hbm>>
        %dma_wait3A_111 = arith.constant 0 : i32
        %dma_wait3A_112 = tpu.memref_slice %arg9[%add3A_80, %dma_wait3A_111] : memref<102400x16xf32, #tpu.memory_space<hbm>> -> memref<128x16xf32, #tpu.memory_space<hbm>>
        tpu.wait_dma2 semaphore(%run_scoped3A : memref<!tpu.dma_semaphore, #tpu.memory_space<semaphore_mem>>) src(%arg15 : memref<128x16xf32, #tpu.memory_space<vmem>>) dst(%dma_wait3A_112 : memref<128x16xf32, #tpu.memory_space<hbm>>)
        tpu.yield
      }) : () -> ()
      %add3A_81 = arith.constant 2 : i32
      %add3A_82 = arith.addi %mul3A_42, %add3A_81 : i32
      %lt3A = arith.constant 25 : i32
      %lt3A_83 = arith.cmpi slt, %add3A_82, %lt3A : i32
      %convert_element_type3A = arith.extui %lt3A_83 : i1 to i32
      %cond3A = arith.constant 0 : i32
      %cond3A_84 = arith.cmpi ne, %convert_element_type3A, %cond3A : i32
      scf.if %cond3A_84 {
        %add3A_105 = arith.constant 2 : i32
        %add3A_106 = arith.addi %mul3A_42, %add3A_105 : i32
        %mul3A_107 = arith.constant 128 : i32
        %mul3A_108 = arith.muli %add3A_106, %mul3A_107 : i32
        %dma_start3A_109 = tpu.memref_slice %arg10[%mul3A_108] : memref<3200xi32, #tpu.memory_space<vmem>> -> memref<128xi32, #tpu.memory_space<vmem>>
        %dma_start3A_110 = arith.constant 0 : i32
        %dma_start3A_111 = arith.constant 0 : i32
        %dma_start3A_112 = tpu.memref_slice %arg4[%dma_start3A_110, %dma_start3A_111] : memref<10240x16xf32, #tpu.memory_space<hbm>> -> memref<10240x16xf32, #tpu.memory_space<hbm>>
        tpu.enqueue_indirect_dma source(%dma_start3A_112 : memref<10240x16xf32, #tpu.memory_space<hbm>>) target(%arg13 : memref<128x16xf32, #tpu.memory_space<vmem>>) offsets(%dma_start3A_109 : memref<128xi32, #tpu.memory_space<vmem>>) semaphore(%arg19 : memref<!tpu.dma_semaphore, #tpu.memory_space<semaphore_mem>>)
        %mul3A_113 = arith.constant 128 : i32
        %mul3A_114 = arith.muli %add3A_106, %mul3A_113 : i32
        %dma_start3A_115 = tpu.memref_slice %arg11[%mul3A_114] : memref<3200xi32, #tpu.memory_space<vmem>> -> memref<128xi32, #tpu.memory_space<vmem>>
        %dma_start3A_116 = arith.constant 0 : i32
        %dma_start3A_117 = arith.constant 0 : i32
        %dma_start3A_118 = tpu.memref_slice %arg4[%dma_start3A_116, %dma_start3A_117] : memref<10240x16xf32, #tpu.memory_space<hbm>> -> memref<10240x16xf32, #tpu.memory_space<hbm>>
        tpu.enqueue_indirect_dma source(%dma_start3A_118 : memref<10240x16xf32, #tpu.memory_space<hbm>>) target(%arg14 : memref<128x16xf32, #tpu.memory_space<vmem>>) offsets(%dma_start3A_115 : memref<128xi32, #tpu.memory_space<vmem>>) semaphore(%arg19 : memref<!tpu.dma_semaphore, #tpu.memory_space<semaphore_mem>>)
        %mul3A_119 = arith.constant 128 : i32
        %mul3A_120 = arith.muli %add3A_106, %mul3A_119 : i32
        %dma_start3A_121 = tpu.memref_slice %arg12[%mul3A_120] : memref<3200xi32, #tpu.memory_space<vmem>> -> memref<128xi32, #tpu.memory_space<vmem>>
        %dma_start3A_122 = arith.constant 0 : i32
        %dma_start3A_123 = arith.constant 0 : i32
        %dma_start3A_124 = tpu.memref_slice %arg6[%dma_start3A_122, %dma_start3A_123] : memref<160000x16xf32, #tpu.memory_space<hbm>> -> memref<160000x16xf32, #tpu.memory_space<hbm>>
        tpu.enqueue_indirect_dma source(%dma_start3A_124 : memref<160000x16xf32, #tpu.memory_space<hbm>>) target(%arg15 : memref<128x16xf32, #tpu.memory_space<vmem>>) offsets(%dma_start3A_121 : memref<128xi32, #tpu.memory_space<vmem>>) semaphore(%arg19 : memref<!tpu.dma_semaphore, #tpu.memory_space<semaphore_mem>>)
      } else {
      }
      %add3A_85 = arith.constant 1 : i32
      %add3A_86 = arith.addi %mul3A_42, %add3A_85 : i32
      %dma_wait3A_87 = arith.constant 0 : i32
      %dma_wait3A_88 = tpu.memref_slice %arg10[%dma_wait3A_87] : memref<3200xi32, #tpu.memory_space<vmem>> -> memref<128xi32, #tpu.memory_space<vmem>>
      %dma_wait3A_89 = arith.constant 0 : i32
      %dma_wait3A_90 = arith.constant 0 : i32
      %dma_wait3A_91 = tpu.memref_slice %arg4[%dma_wait3A_89, %dma_wait3A_90] : memref<10240x16xf32, #tpu.memory_space<hbm>> -> memref<10240x16xf32, #tpu.memory_space<hbm>>
      tpu.wait_indirect_dma semaphore(%arg20 : memref<!tpu.dma_semaphore, #tpu.memory_space<semaphore_mem>>) src(%dma_wait3A_91 : memref<10240x16xf32, #tpu.memory_space<hbm>>) dst(%arg16 : memref<128x16xf32, #tpu.memory_space<vmem>>)
      %dma_wait3A_92 = arith.constant 0 : i32
      %dma_wait3A_93 = tpu.memref_slice %arg11[%dma_wait3A_92] : memref<3200xi32, #tpu.memory_space<vmem>> -> memref<128xi32, #tpu.memory_space<vmem>>
      %dma_wait3A_94 = arith.constant 0 : i32
      %dma_wait3A_95 = arith.constant 0 : i32
      %dma_wait3A_96 = tpu.memref_slice %arg4[%dma_wait3A_94, %dma_wait3A_95] : memref<10240x16xf32, #tpu.memory_space<hbm>> -> memref<10240x16xf32, #tpu.memory_space<hbm>>
      tpu.wait_indirect_dma semaphore(%arg20 : memref<!tpu.dma_semaphore, #tpu.memory_space<semaphore_mem>>) src(%dma_wait3A_96 : memref<10240x16xf32, #tpu.memory_space<hbm>>) dst(%arg17 : memref<128x16xf32, #tpu.memory_space<vmem>>)
      %dma_wait3A_97 = arith.constant 0 : i32
      %dma_wait3A_98 = tpu.memref_slice %arg12[%dma_wait3A_97] : memref<3200xi32, #tpu.memory_space<vmem>> -> memref<128xi32, #tpu.memory_space<vmem>>
      %dma_wait3A_99 = arith.constant 0 : i32
      %dma_wait3A_100 = arith.constant 0 : i32
      %dma_wait3A_101 = tpu.memref_slice %arg6[%dma_wait3A_99, %dma_wait3A_100] : memref<160000x16xf32, #tpu.memory_space<hbm>> -> memref<160000x16xf32, #tpu.memory_space<hbm>>
      tpu.wait_indirect_dma semaphore(%arg20 : memref<!tpu.dma_semaphore, #tpu.memory_space<semaphore_mem>>) src(%dma_wait3A_101 : memref<160000x16xf32, #tpu.memory_space<hbm>>) dst(%arg18 : memref<128x16xf32, #tpu.memory_space<vmem>>)
      %mul3A_102 = arith.constant 128 : i32
      %mul3A_103 = arith.muli %add3A_86, %mul3A_102 : i32
      %add3A_104 = arith.addi %mul3A_4, %mul3A_103 : i32
      "tpu.region"() ({
        %run_scoped3A = tpu.sem_alloc : memref<!tpu.dma_semaphore, #tpu.memory_space<semaphore_mem>>
        %dma_start3A_105 = arith.constant 0 : i32
        %dma_start3A_106 = tpu.memref_slice %arg7[%add3A_104, %dma_start3A_105] : memref<102400x16xf32, #tpu.memory_space<hbm>> -> memref<128x16xf32, #tpu.memory_space<hbm>>
        %dma_start3A_107 = arith.constant 0 : i32
        %dma_start3A_108 = tpu.memref_slice %arg7[%add3A_104, %dma_start3A_107] : memref<102400x16xf32, #tpu.memory_space<hbm>> -> memref<128x16xf32, #tpu.memory_space<hbm>>
        tpu.enqueue_dma source(%arg16 : memref<128x16xf32, #tpu.memory_space<vmem>>) target(%dma_start3A_108 : memref<128x16xf32, #tpu.memory_space<hbm>>) target_semaphore(%run_scoped3A : memref<!tpu.dma_semaphore, #tpu.memory_space<semaphore_mem>>)
        %dma_wait3A_109 = arith.constant 0 : i32
        %dma_wait3A_110 = tpu.memref_slice %arg7[%add3A_104, %dma_wait3A_109] : memref<102400x16xf32, #tpu.memory_space<hbm>> -> memref<128x16xf32, #tpu.memory_space<hbm>>
        %dma_wait3A_111 = arith.constant 0 : i32
        %dma_wait3A_112 = tpu.memref_slice %arg7[%add3A_104, %dma_wait3A_111] : memref<102400x16xf32, #tpu.memory_space<hbm>> -> memref<128x16xf32, #tpu.memory_space<hbm>>
        tpu.wait_dma2 semaphore(%run_scoped3A : memref<!tpu.dma_semaphore, #tpu.memory_space<semaphore_mem>>) src(%arg16 : memref<128x16xf32, #tpu.memory_space<vmem>>) dst(%dma_wait3A_112 : memref<128x16xf32, #tpu.memory_space<hbm>>)
        tpu.yield
      }) : () -> ()
      "tpu.region"() ({
        %run_scoped3A = tpu.sem_alloc : memref<!tpu.dma_semaphore, #tpu.memory_space<semaphore_mem>>
        %dma_start3A_105 = arith.constant 0 : i32
        %dma_start3A_106 = tpu.memref_slice %arg8[%add3A_104, %dma_start3A_105] : memref<102400x16xf32, #tpu.memory_space<hbm>> -> memref<128x16xf32, #tpu.memory_space<hbm>>
        %dma_start3A_107 = arith.constant 0 : i32
        %dma_start3A_108 = tpu.memref_slice %arg8[%add3A_104, %dma_start3A_107] : memref<102400x16xf32, #tpu.memory_space<hbm>> -> memref<128x16xf32, #tpu.memory_space<hbm>>
        tpu.enqueue_dma source(%arg17 : memref<128x16xf32, #tpu.memory_space<vmem>>) target(%dma_start3A_108 : memref<128x16xf32, #tpu.memory_space<hbm>>) target_semaphore(%run_scoped3A : memref<!tpu.dma_semaphore, #tpu.memory_space<semaphore_mem>>)
        %dma_wait3A_109 = arith.constant 0 : i32
        %dma_wait3A_110 = tpu.memref_slice %arg8[%add3A_104, %dma_wait3A_109] : memref<102400x16xf32, #tpu.memory_space<hbm>> -> memref<128x16xf32, #tpu.memory_space<hbm>>
        %dma_wait3A_111 = arith.constant 0 : i32
        %dma_wait3A_112 = tpu.memref_slice %arg8[%add3A_104, %dma_wait3A_111] : memref<102400x16xf32, #tpu.memory_space<hbm>> -> memref<128x16xf32, #tpu.memory_space<hbm>>
        tpu.wait_dma2 semaphore(%run_scoped3A : memref<!tpu.dma_semaphore, #tpu.memory_space<semaphore_mem>>) src(%arg17 : memref<128x16xf32, #tpu.memory_space<vmem>>) dst(%dma_wait3A_112 : memref<128x16xf32, #tpu.memory_space<hbm>>)
        tpu.yield
      }) : () -> ()
      "tpu.region"() ({
        %run_scoped3A = tpu.sem_alloc : memref<!tpu.dma_semaphore, #tpu.memory_space<semaphore_mem>>
        %dma_start3A_105 = arith.constant 0 : i32
        %dma_start3A_106 = tpu.memref_slice %arg9[%add3A_104, %dma_start3A_105] : memref<102400x16xf32, #tpu.memory_space<hbm>> -> memref<128x16xf32, #tpu.memory_space<hbm>>
        %dma_start3A_107 = arith.constant 0 : i32
        %dma_start3A_108 = tpu.memref_slice %arg9[%add3A_104, %dma_start3A_107] : memref<102400x16xf32, #tpu.memory_space<hbm>> -> memref<128x16xf32, #tpu.memory_space<hbm>>
        tpu.enqueue_dma source(%arg18 : memref<128x16xf32, #tpu.memory_space<vmem>>) target(%dma_start3A_108 : memref<128x16xf32, #tpu.memory_space<hbm>>) target_semaphore(%run_scoped3A : memref<!tpu.dma_semaphore, #tpu.memory_space<semaphore_mem>>)
        %dma_wait3A_109 = arith.constant 0 : i32
        %dma_wait3A_110 = tpu.memref_slice %arg9[%add3A_104, %dma_wait3A_109] : memref<102400x16xf32, #tpu.memory_space<hbm>> -> memref<128x16xf32, #tpu.memory_space<hbm>>
        %dma_wait3A_111 = arith.constant 0 : i32
        %dma_wait3A_112 = tpu.memref_slice %arg9[%add3A_104, %dma_wait3A_111] : memref<102400x16xf32, #tpu.memory_space<hbm>> -> memref<128x16xf32, #tpu.memory_space<hbm>>
        tpu.wait_dma2 semaphore(%run_scoped3A : memref<!tpu.dma_semaphore, #tpu.memory_space<semaphore_mem>>) src(%arg18 : memref<128x16xf32, #tpu.memory_space<vmem>>) dst(%dma_wait3A_112 : memref<128x16xf32, #tpu.memory_space<hbm>>)
        tpu.yield
      }) : () -> ()
    }
    %scan3A_23 = arith.constant 12 : i32
    %dma_wait3A = arith.constant 0 : i32
    %dma_wait3A_24 = tpu.memref_slice %arg10[%dma_wait3A] : memref<3200xi32, #tpu.memory_space<vmem>> -> memref<128xi32, #tpu.memory_space<vmem>>
    %dma_wait3A_25 = arith.constant 0 : i32
    %dma_wait3A_26 = arith.constant 0 : i32
    %dma_wait3A_27 = tpu.memref_slice %arg4[%dma_wait3A_25, %dma_wait3A_26] : memref<10240x16xf32, #tpu.memory_space<hbm>> -> memref<10240x16xf32, #tpu.memory_space<hbm>>
    tpu.wait_indirect_dma semaphore(%arg19 : memref<!tpu.dma_semaphore, #tpu.memory_space<semaphore_mem>>) src(%dma_wait3A_27 : memref<10240x16xf32, #tpu.memory_space<hbm>>) dst(%arg13 : memref<128x16xf32, #tpu.memory_space<vmem>>)
    %dma_wait3A_28 = arith.constant 0 : i32
    %dma_wait3A_29 = tpu.memref_slice %arg11[%dma_wait3A_28] : memref<3200xi32, #tpu.memory_space<vmem>> -> memref<128xi32, #tpu.memory_space<vmem>>
    %dma_wait3A_30 = arith.constant 0 : i32
    %dma_wait3A_31 = arith.constant 0 : i32
    %dma_wait3A_32 = tpu.memref_slice %arg4[%dma_wait3A_30, %dma_wait3A_31] : memref<10240x16xf32, #tpu.memory_space<hbm>> -> memref<10240x16xf32, #tpu.memory_space<hbm>>
    tpu.wait_indirect_dma semaphore(%arg19 : memref<!tpu.dma_semaphore, #tpu.memory_space<semaphore_mem>>) src(%dma_wait3A_32 : memref<10240x16xf32, #tpu.memory_space<hbm>>) dst(%arg14 : memref<128x16xf32, #tpu.memory_space<vmem>>)
    %dma_wait3A_33 = arith.constant 0 : i32
    %dma_wait3A_34 = tpu.memref_slice %arg12[%dma_wait3A_33] : memref<3200xi32, #tpu.memory_space<vmem>> -> memref<128xi32, #tpu.memory_space<vmem>>
    %dma_wait3A_35 = arith.constant 0 : i32
    %dma_wait3A_36 = arith.constant 0 : i32
    %dma_wait3A_37 = tpu.memref_slice %arg6[%dma_wait3A_35, %dma_wait3A_36] : memref<160000x16xf32, #tpu.memory_space<hbm>> -> memref<160000x16xf32, #tpu.memory_space<hbm>>
    tpu.wait_indirect_dma semaphore(%arg19 : memref<!tpu.dma_semaphore, #tpu.memory_space<semaphore_mem>>) src(%dma_wait3A_37 : memref<160000x16xf32, #tpu.memory_space<hbm>>) dst(%arg15 : memref<128x16xf32, #tpu.memory_space<vmem>>)
    %add3A_38 = arith.constant 3072 : i32
    %add3A_39 = arith.addi %mul3A_4, %add3A_38 : i32
    "tpu.region"() ({
      %run_scoped3A = tpu.sem_alloc : memref<!tpu.dma_semaphore, #tpu.memory_space<semaphore_mem>>
      %dma_start3A_40 = arith.constant 0 : i32
      %dma_start3A_41 = tpu.memref_slice %arg7[%add3A_39, %dma_start3A_40] : memref<102400x16xf32, #tpu.memory_space<hbm>> -> memref<128x16xf32, #tpu.memory_space<hbm>>
      %dma_start3A_42 = arith.constant 0 : i32
      %dma_start3A_43 = tpu.memref_slice %arg7[%add3A_39, %dma_start3A_42] : memref<102400x16xf32, #tpu.memory_space<hbm>> -> memref<128x16xf32, #tpu.memory_space<hbm>>
      tpu.enqueue_dma source(%arg13 : memref<128x16xf32, #tpu.memory_space<vmem>>) target(%dma_start3A_43 : memref<128x16xf32, #tpu.memory_space<hbm>>) target_semaphore(%run_scoped3A : memref<!tpu.dma_semaphore, #tpu.memory_space<semaphore_mem>>)
      %dma_wait3A_44 = arith.constant 0 : i32
      %dma_wait3A_45 = tpu.memref_slice %arg7[%add3A_39, %dma_wait3A_44] : memref<102400x16xf32, #tpu.memory_space<hbm>> -> memref<128x16xf32, #tpu.memory_space<hbm>>
      %dma_wait3A_46 = arith.constant 0 : i32
      %dma_wait3A_47 = tpu.memref_slice %arg7[%add3A_39, %dma_wait3A_46] : memref<102400x16xf32, #tpu.memory_space<hbm>> -> memref<128x16xf32, #tpu.memory_space<hbm>>
      tpu.wait_dma2 semaphore(%run_scoped3A : memref<!tpu.dma_semaphore, #tpu.memory_space<semaphore_mem>>) src(%arg13 : memref<128x16xf32, #tpu.memory_space<vmem>>) dst(%dma_wait3A_47 : memref<128x16xf32, #tpu.memory_space<hbm>>)
      tpu.yield
    }) : () -> ()
    "tpu.region"() ({
      %run_scoped3A = tpu.sem_alloc : memref<!tpu.dma_semaphore, #tpu.memory_space<semaphore_mem>>
      %dma_start3A_40 = arith.constant 0 : i32
      %dma_start3A_41 = tpu.memref_slice %arg8[%add3A_39, %dma_start3A_40] : memref<102400x16xf32, #tpu.memory_space<hbm>> -> memref<128x16xf32, #tpu.memory_space<hbm>>
      %dma_start3A_42 = arith.constant 0 : i32
      %dma_start3A_43 = tpu.memref_slice %arg8[%add3A_39, %dma_start3A_42] : memref<102400x16xf32, #tpu.memory_space<hbm>> -> memref<128x16xf32, #tpu.memory_space<hbm>>
      tpu.enqueue_dma source(%arg14 : memref<128x16xf32, #tpu.memory_space<vmem>>) target(%dma_start3A_43 : memref<128x16xf32, #tpu.memory_space<hbm>>) target_semaphore(%run_scoped3A : memref<!tpu.dma_semaphore, #tpu.memory_space<semaphore_mem>>)
      %dma_wait3A_44 = arith.constant 0 : i32
      %dma_wait3A_45 = tpu.memref_slice %arg8[%add3A_39, %dma_wait3A_44] : memref<102400x16xf32, #tpu.memory_space<hbm>> -> memref<128x16xf32, #tpu.memory_space<hbm>>
      %dma_wait3A_46 = arith.constant 0 : i32
      %dma_wait3A_47 = tpu.memref_slice %arg8[%add3A_39, %dma_wait3A_46] : memref<102400x16xf32, #tpu.memory_space<hbm>> -> memref<128x16xf32, #tpu.memory_space<hbm>>
      tpu.wait_dma2 semaphore(%run_scoped3A : memref<!tpu.dma_semaphore, #tpu.memory_space<semaphore_mem>>) src(%arg14 : memref<128x16xf32, #tpu.memory_space<vmem>>) dst(%dma_wait3A_47 : memref<128x16xf32, #tpu.memory_space<hbm>>)
      tpu.yield
    }) : () -> ()
    "tpu.region"() ({
      %run_scoped3A = tpu.sem_alloc : memref<!tpu.dma_semaphore, #tpu.memory_space<semaphore_mem>>
      %dma_start3A_40 = arith.constant 0 : i32
      %dma_start3A_41 = tpu.memref_slice %arg9[%add3A_39, %dma_start3A_40] : memref<102400x16xf32, #tpu.memory_space<hbm>> -> memref<128x16xf32, #tpu.memory_space<hbm>>
      %dma_start3A_42 = arith.constant 0 : i32
      %dma_start3A_43 = tpu.memref_slice %arg9[%add3A_39, %dma_start3A_42] : memref<102400x16xf32, #tpu.memory_space<hbm>> -> memref<128x16xf32, #tpu.memory_space<hbm>>
      tpu.enqueue_dma source(%arg15 : memref<128x16xf32, #tpu.memory_space<vmem>>) target(%dma_start3A_43 : memref<128x16xf32, #tpu.memory_space<hbm>>) target_semaphore(%run_scoped3A : memref<!tpu.dma_semaphore, #tpu.memory_space<semaphore_mem>>)
      %dma_wait3A_44 = arith.constant 0 : i32
      %dma_wait3A_45 = tpu.memref_slice %arg9[%add3A_39, %dma_wait3A_44] : memref<102400x16xf32, #tpu.memory_space<hbm>> -> memref<128x16xf32, #tpu.memory_space<hbm>>
      %dma_wait3A_46 = arith.constant 0 : i32
      %dma_wait3A_47 = tpu.memref_slice %arg9[%add3A_39, %dma_wait3A_46] : memref<102400x16xf32, #tpu.memory_space<hbm>> -> memref<128x16xf32, #tpu.memory_space<hbm>>
      tpu.wait_dma2 semaphore(%run_scoped3A : memref<!tpu.dma_semaphore, #tpu.memory_space<semaphore_mem>>) src(%arg15 : memref<128x16xf32, #tpu.memory_space<vmem>>) dst(%dma_wait3A_47 : memref<128x16xf32, #tpu.memory_space<hbm>>)
      tpu.yield
    }) : () -> ()
    return
  }
}

#map = affine_map<(d0, d1) -> (0)>
module attributes {stable_mosaic.version = 14 : i64} {
  func.func @_sc_cls_gather_ids_body(%arg0: i32, %arg1: i32, %arg2: memref<102400xi32, #tpu.memory_space<hbm>>, %arg3: memref<160000xi32, #tpu.memory_space<hbm>>, %arg4: memref<160000xi32, #tpu.memory_space<hbm>>, %arg5: memref<102400xi32, #tpu.memory_space<hbm>>, %arg6: memref<102400xi32, #tpu.memory_space<hbm>>, %arg7: memref<3200xi32, #tpu.memory_space<vmem>>, %arg8: memref<128xi32, #tpu.memory_space<vmem>>, %arg9: memref<128xi32, #tpu.memory_space<vmem>>, %arg10: memref<!tpu.dma_semaphore, #tpu.memory_space<semaphore_mem>>) attributes {dimension_semantics = [#tpu.dimension_semantics<core_parallel>, #tpu.dimension_semantics<subcore_parallel>], iteration_bounds = array<i64: 2, 16>, scalar_prefetch = 0 : i64, scratch_operands = 4 : i64, tpu.core_type = #tpu.core_type<sc_vector_subcore>, window_params = [{transform_indices = #map}, {transform_indices = #map}, {transform_indices = #map}, {transform_indices = #map}, {transform_indices = #map}]} {
    %mul3A = arith.constant 2 : i32
    %mul3A_0 = arith.muli %arg1, %mul3A : i32
    %add3A = arith.addi %mul3A_0, %arg0 : i32
    %mul3A_1 = arith.constant 25 : i32
    %mul3A_2 = arith.muli %add3A, %mul3A_1 : i32
    %mul3A_3 = arith.constant 128 : i32
    %mul3A_4 = arith.muli %mul3A_2, %mul3A_3 : i32
    "tpu.region"() ({
      %run_scoped3A = tpu.sem_alloc : memref<!tpu.dma_semaphore, #tpu.memory_space<semaphore_mem>>
      %dma_start3A = tpu.memref_slice %arg2[%mul3A_4] : memref<102400xi32, #tpu.memory_space<hbm>> -> memref<3200xi32, #tpu.memory_space<hbm>>
      %dma_start3A_10 = tpu.memref_slice %arg2[%mul3A_4] : memref<102400xi32, #tpu.memory_space<hbm>> -> memref<3200xi32, #tpu.memory_space<hbm>>
      tpu.enqueue_dma source(%dma_start3A_10 : memref<3200xi32, #tpu.memory_space<hbm>>) target(%arg7 : memref<3200xi32, #tpu.memory_space<vmem>>) target_semaphore(%run_scoped3A : memref<!tpu.dma_semaphore, #tpu.memory_space<semaphore_mem>>)
      %dma_wait3A = tpu.memref_slice %arg2[%mul3A_4] : memref<102400xi32, #tpu.memory_space<hbm>> -> memref<3200xi32, #tpu.memory_space<hbm>>
      %dma_wait3A_11 = tpu.memref_slice %arg2[%mul3A_4] : memref<102400xi32, #tpu.memory_space<hbm>> -> memref<3200xi32, #tpu.memory_space<hbm>>
      tpu.wait_dma2 semaphore(%run_scoped3A : memref<!tpu.dma_semaphore, #tpu.memory_space<semaphore_mem>>) src(%dma_wait3A_11 : memref<3200xi32, #tpu.memory_space<hbm>>) dst(%arg7 : memref<3200xi32, #tpu.memory_space<vmem>>)
      tpu.yield
    }) : () -> ()
    %scan3A = arith.constant 0 : i32
    %scan3A_5 = arith.constant 0 : i32
    %scan3A_6 = arith.constant 25 : i32
    %scan3A_7 = arith.addi %scan3A_5, %scan3A_6 : i32
    %scan3A_8 = arith.constant 1 : i32
    scf.for %scan3A_10 = %scan3A_5 to %scan3A_7 step %scan3A_8  : i32 {
      %mul3A_11 = arith.constant 128 : i32
      %mul3A_12 = arith.muli %scan3A_10, %mul3A_11 : i32
      %add3A_13 = arith.addi %mul3A_4, %mul3A_12 : i32
      %mul3A_14 = arith.constant 128 : i32
      %mul3A_15 = arith.muli %scan3A_10, %mul3A_14 : i32
      %dma_start3A = tpu.memref_slice %arg7[%mul3A_15] : memref<3200xi32, #tpu.memory_space<vmem>> -> memref<128xi32, #tpu.memory_space<vmem>>
      %dma_start3A_16 = arith.constant 0 : i32
      %dma_start3A_17 = tpu.memref_slice %arg3[%dma_start3A_16] : memref<160000xi32, #tpu.memory_space<hbm>> -> memref<160000xi32, #tpu.memory_space<hbm>>
      tpu.enqueue_indirect_dma source(%dma_start3A_17 : memref<160000xi32, #tpu.memory_space<hbm>>) target(%arg8 : memref<128xi32, #tpu.memory_space<vmem>>) offsets(%dma_start3A : memref<128xi32, #tpu.memory_space<vmem>>) semaphore(%arg10 : memref<!tpu.dma_semaphore, #tpu.memory_space<semaphore_mem>>)
      %dma_wait3A = tpu.memref_slice %arg7[%mul3A_15] : memref<3200xi32, #tpu.memory_space<vmem>> -> memref<128xi32, #tpu.memory_space<vmem>>
      %dma_wait3A_18 = arith.constant 0 : i32
      %dma_wait3A_19 = tpu.memref_slice %arg3[%dma_wait3A_18] : memref<160000xi32, #tpu.memory_space<hbm>> -> memref<160000xi32, #tpu.memory_space<hbm>>
      tpu.wait_indirect_dma semaphore(%arg10 : memref<!tpu.dma_semaphore, #tpu.memory_space<semaphore_mem>>) src(%dma_wait3A_19 : memref<160000xi32, #tpu.memory_space<hbm>>) dst(%arg8 : memref<128xi32, #tpu.memory_space<vmem>>)
      %dma_start3A_20 = tpu.memref_slice %arg7[%mul3A_15] : memref<3200xi32, #tpu.memory_space<vmem>> -> memref<128xi32, #tpu.memory_space<vmem>>
      %dma_start3A_21 = arith.constant 0 : i32
      %dma_start3A_22 = tpu.memref_slice %arg4[%dma_start3A_21] : memref<160000xi32, #tpu.memory_space<hbm>> -> memref<160000xi32, #tpu.memory_space<hbm>>
      tpu.enqueue_indirect_dma source(%dma_start3A_22 : memref<160000xi32, #tpu.memory_space<hbm>>) target(%arg9 : memref<128xi32, #tpu.memory_space<vmem>>) offsets(%dma_start3A_20 : memref<128xi32, #tpu.memory_space<vmem>>) semaphore(%arg10 : memref<!tpu.dma_semaphore, #tpu.memory_space<semaphore_mem>>)
      %dma_wait3A_23 = tpu.memref_slice %arg7[%mul3A_15] : memref<3200xi32, #tpu.memory_space<vmem>> -> memref<128xi32, #tpu.memory_space<vmem>>
      %dma_wait3A_24 = arith.constant 0 : i32
      %dma_wait3A_25 = tpu.memref_slice %arg4[%dma_wait3A_24] : memref<160000xi32, #tpu.memory_space<hbm>> -> memref<160000xi32, #tpu.memory_space<hbm>>
      tpu.wait_indirect_dma semaphore(%arg10 : memref<!tpu.dma_semaphore, #tpu.memory_space<semaphore_mem>>) src(%dma_wait3A_25 : memref<160000xi32, #tpu.memory_space<hbm>>) dst(%arg9 : memref<128xi32, #tpu.memory_space<vmem>>)
      "tpu.region"() ({
        %run_scoped3A = tpu.sem_alloc : memref<!tpu.dma_semaphore, #tpu.memory_space<semaphore_mem>>
        %dma_start3A_26 = tpu.memref_slice %arg5[%add3A_13] : memref<102400xi32, #tpu.memory_space<hbm>> -> memref<128xi32, #tpu.memory_space<hbm>>
        %dma_start3A_27 = tpu.memref_slice %arg5[%add3A_13] : memref<102400xi32, #tpu.memory_space<hbm>> -> memref<128xi32, #tpu.memory_space<hbm>>
        tpu.enqueue_dma source(%arg8 : memref<128xi32, #tpu.memory_space<vmem>>) target(%dma_start3A_27 : memref<128xi32, #tpu.memory_space<hbm>>) target_semaphore(%run_scoped3A : memref<!tpu.dma_semaphore, #tpu.memory_space<semaphore_mem>>)
        %dma_wait3A_28 = tpu.memref_slice %arg5[%add3A_13] : memref<102400xi32, #tpu.memory_space<hbm>> -> memref<128xi32, #tpu.memory_space<hbm>>
        %dma_wait3A_29 = tpu.memref_slice %arg5[%add3A_13] : memref<102400xi32, #tpu.memory_space<hbm>> -> memref<128xi32, #tpu.memory_space<hbm>>
        tpu.wait_dma2 semaphore(%run_scoped3A : memref<!tpu.dma_semaphore, #tpu.memory_space<semaphore_mem>>) src(%arg8 : memref<128xi32, #tpu.memory_space<vmem>>) dst(%dma_wait3A_29 : memref<128xi32, #tpu.memory_space<hbm>>)
        tpu.yield
      }) : () -> ()
      "tpu.region"() ({
        %run_scoped3A = tpu.sem_alloc : memref<!tpu.dma_semaphore, #tpu.memory_space<semaphore_mem>>
        %dma_start3A_26 = tpu.memref_slice %arg6[%add3A_13] : memref<102400xi32, #tpu.memory_space<hbm>> -> memref<128xi32, #tpu.memory_space<hbm>>
        %dma_start3A_27 = tpu.memref_slice %arg6[%add3A_13] : memref<102400xi32, #tpu.memory_space<hbm>> -> memref<128xi32, #tpu.memory_space<hbm>>
        tpu.enqueue_dma source(%arg9 : memref<128xi32, #tpu.memory_space<vmem>>) target(%dma_start3A_27 : memref<128xi32, #tpu.memory_space<hbm>>) target_semaphore(%run_scoped3A : memref<!tpu.dma_semaphore, #tpu.memory_space<semaphore_mem>>)
        %dma_wait3A_28 = tpu.memref_slice %arg6[%add3A_13] : memref<102400xi32, #tpu.memory_space<hbm>> -> memref<128xi32, #tpu.memory_space<hbm>>
        %dma_wait3A_29 = tpu.memref_slice %arg6[%add3A_13] : memref<102400xi32, #tpu.memory_space<hbm>> -> memref<128xi32, #tpu.memory_space<hbm>>
        tpu.wait_dma2 semaphore(%run_scoped3A : memref<!tpu.dma_semaphore, #tpu.memory_space<semaphore_mem>>) src(%arg9 : memref<128xi32, #tpu.memory_space<vmem>>) dst(%dma_wait3A_29 : memref<128xi32, #tpu.memory_space<hbm>>)
        tpu.yield
      }) : () -> ()
    }
    %scan3A_9 = arith.constant 25 : i32
    return
  }
}

module attributes {stable_mosaic.version = 14 : i64} {
  func.func @_tc_msg_body(%arg0: i32, %arg1: memref<16x3200xf32, #tpu.memory_space<vmem>>, %arg2: memref<3200x128xf32, #tpu.memory_space<vmem>>, %arg3: memref<16x256xbf16, #tpu.memory_space<vmem>>, %arg4: memref<1x256xf32, #tpu.memory_space<vmem>>, %arg5: memref<256x512xbf16, #tpu.memory_space<vmem>>, %arg6: memref<1x512xf32, #tpu.memory_space<vmem>>, %arg7: memref<3200x8xf32, #tpu.memory_space<vmem>>) attributes {dimension_semantics = [#tpu.dimension_semantics<arbitrary>], iteration_bounds = array<i64: 50>, scalar_prefetch = 0 : i64, scratch_operands = 0 : i64, tpu.core_type = #tpu.core_type<tc>, window_params = [{transform_indices = @transform_0, window_bounds = array<i64: 16, 3200>}, {transform_indices = @transform_1, window_bounds = array<i64: 3200, 128>}, {pipeline_mode = #tpu.pipeline_mode<synchronous>, transform_indices = @transform_2, window_bounds = array<i64: 16, 256>}, {pipeline_mode = #tpu.pipeline_mode<synchronous>, transform_indices = @transform_3, window_bounds = array<i64: 1, 256>}, {pipeline_mode = #tpu.pipeline_mode<synchronous>, transform_indices = @transform_4, window_bounds = array<i64: 256, 512>}, {pipeline_mode = #tpu.pipeline_mode<synchronous>, transform_indices = @transform_5, window_bounds = array<i64: 1, 512>}, {transform_indices = @transform_6, window_bounds = array<i64: 3200, 8>}]} {
    %get3A = arith.constant 0 : index
    %get3A_0 = arith.constant 0 : index
    %get3A_1 = vector.load %arg1[%get3A, %get3A_0] : memref<16x3200xf32, #tpu.memory_space<vmem>>, vector<16x3200xf32>
    %convert_element_type3A = arith.truncf %get3A_1 : vector<16x3200xf32> to vector<16x3200xbf16>
    %get3A_2 = arith.constant 0 : index
    %get3A_3 = arith.constant 0 : index
    %get3A_4 = vector.load %arg3[%get3A_2, %get3A_3] : memref<16x256xbf16, #tpu.memory_space<vmem>>, vector<16x256xbf16>
    %dot_general3A = arith.constant dense<0.000000e+00> : vector<3200x256xf32>
    %dot_general3A_5 = tpu.matmul %convert_element_type3A, %get3A_4, %dot_general3A {dimension_numbers = #tpu.dot_dimension_numbers<[0], [0], [1], [1], [0, 1, 1, 1], [], []>, transpose_lhs_hint = false} : vector<16x3200xbf16>, vector<16x256xbf16>, vector<3200x256xf32> -> vector<3200x256xf32>
    %get3A_6 = arith.constant 0 : index
    %get3A_7 = arith.constant 0 : index
    %get3A_8 = vector.load %arg4[%get3A_6, %get3A_7] : memref<1x256xf32, #tpu.memory_space<vmem>>, vector<1x256xf32>
    %add3A = vector.broadcast %get3A_8 : vector<1x256xf32> to vector<3200x256xf32>
    %add3A_9 = arith.addf %dot_general3A_5, %add3A : vector<3200x256xf32>
    %max3A = arith.constant 0.000000e+00 : f32
    %max3A_10 = vector.broadcast %max3A : f32 to vector<3200x256xf32>
    %max3A_11 = arith.maximumf %add3A_9, %max3A_10 : vector<3200x256xf32>
    %convert_element_type3A_12 = arith.truncf %max3A_11 : vector<3200x256xf32> to vector<3200x256xbf16>
    %get3A_13 = arith.constant 0 : index
    %get3A_14 = arith.constant 0 : index
    %get3A_15 = vector.load %arg5[%get3A_13, %get3A_14] : memref<256x512xbf16, #tpu.memory_space<vmem>>, vector<256x512xbf16>
    %dot_general3A_16 = arith.constant dense<0.000000e+00> : vector<3200x512xf32>
    %dot_general3A_17 = tpu.matmul %convert_element_type3A_12, %get3A_15, %dot_general3A_16 {dimension_numbers = #tpu.dot_dimension_numbers<[1], [0], [0], [1], [0, 0, 1, 1], [], []>, transpose_lhs_hint = false} : vector<3200x256xbf16>, vector<256x512xbf16>, vector<3200x512xf32> -> vector<3200x512xf32>
    %get3A_18 = arith.constant 0 : index
    %get3A_19 = arith.constant 0 : index
    %get3A_20 = vector.load %arg6[%get3A_18, %get3A_19] : memref<1x512xf32, #tpu.memory_space<vmem>>, vector<1x512xf32>
    %add3A_21 = vector.broadcast %get3A_20 : vector<1x512xf32> to vector<3200x512xf32>
    %add3A_22 = arith.addf %dot_general3A_17, %add3A_21 : vector<3200x512xf32>
    %get3A_23 = arith.constant 0 : index
    %get3A_24 = arith.constant 0 : index
    %get3A_25 = vector.load %arg2[%get3A_23, %get3A_24] : memref<3200x128xf32, #tpu.memory_space<vmem>>, vector<3200x128xf32>
    %slice3A = vector.extract_strided_slice %add3A_22 {offsets = [0, 0], sizes = [3200, 128], strides = [1, 1]} : vector<3200x512xf32> to vector<3200x128xf32>
    %mul3A = arith.mulf %get3A_25, %slice3A : vector<3200x128xf32>
    %reduce_sum3A = arith.constant dense<0.000000e+00> : vector<3200xf32>
    %reduce_sum3A_26 = vector.multi_reduction <add>, %mul3A, %reduce_sum3A [1] : vector<3200x128xf32> to vector<3200xf32>
    %broadcast_in_dim3A = vector.shape_cast %reduce_sum3A_26 : vector<3200xf32> to vector<3200x1xf32>
    %slice3A_27 = vector.extract_strided_slice %add3A_22 {offsets = [0, 128], sizes = [3200, 128], strides = [1, 1]} : vector<3200x512xf32> to vector<3200x128xf32>
    %mul3A_28 = arith.mulf %get3A_25, %slice3A_27 : vector<3200x128xf32>
    %reduce_sum3A_29 = arith.constant dense<0.000000e+00> : vector<3200xf32>
    %reduce_sum3A_30 = vector.multi_reduction <add>, %mul3A_28, %reduce_sum3A_29 [1] : vector<3200x128xf32> to vector<3200xf32>
    %broadcast_in_dim3A_31 = vector.shape_cast %reduce_sum3A_30 : vector<3200xf32> to vector<3200x1xf32>
    %slice3A_32 = vector.extract_strided_slice %add3A_22 {offsets = [0, 256], sizes = [3200, 128], strides = [1, 1]} : vector<3200x512xf32> to vector<3200x128xf32>
    %mul3A_33 = arith.mulf %get3A_25, %slice3A_32 : vector<3200x128xf32>
    %reduce_sum3A_34 = arith.constant dense<0.000000e+00> : vector<3200xf32>
    %reduce_sum3A_35 = vector.multi_reduction <add>, %mul3A_33, %reduce_sum3A_34 [1] : vector<3200x128xf32> to vector<3200xf32>
    %broadcast_in_dim3A_36 = vector.shape_cast %reduce_sum3A_35 : vector<3200xf32> to vector<3200x1xf32>
    %slice3A_37 = vector.extract_strided_slice %add3A_22 {offsets = [0, 384], sizes = [3200, 128], strides = [1, 1]} : vector<3200x512xf32> to vector<3200x128xf32>
    %mul3A_38 = arith.mulf %get3A_25, %slice3A_37 : vector<3200x128xf32>
    %reduce_sum3A_39 = arith.constant dense<0.000000e+00> : vector<3200xf32>
    %reduce_sum3A_40 = vector.multi_reduction <add>, %mul3A_38, %reduce_sum3A_39 [1] : vector<3200x128xf32> to vector<3200xf32>
    %broadcast_in_dim3A_41 = vector.shape_cast %reduce_sum3A_40 : vector<3200xf32> to vector<3200x1xf32>
    %broadcast_in_dim3A_42 = arith.constant 1.000000e+00 : f32
    %broadcast_in_dim3A_43 = vector.broadcast %broadcast_in_dim3A_42 : f32 to vector<3200x1xf32>
    %broadcast_in_dim3A_44 = arith.constant 0.000000e+00 : f32
    %broadcast_in_dim3A_45 = vector.broadcast %broadcast_in_dim3A_44 : f32 to vector<3200x3xf32>
    %concatenate3A = tpu.concatenate %broadcast_in_dim3A, %broadcast_in_dim3A_31, %broadcast_in_dim3A_36, %broadcast_in_dim3A_41, %broadcast_in_dim3A_43, %broadcast_in_dim3A_45 in 1 : vector<3200x1xf32>, vector<3200x1xf32>, vector<3200x1xf32>, vector<3200x1xf32>, vector<3200x1xf32>, vector<3200x3xf32> -> vector<3200x8xf32>
    %swap3A = arith.constant 0 : index
    %swap3A_46 = arith.constant 0 : index
    %swap3A_47 = vector.load %arg7[%swap3A, %swap3A_46] : memref<3200x8xf32, #tpu.memory_space<vmem>>, vector<3200x8xf32>
    tpu.vector_store %arg7[%swap3A, %swap3A_46], %concatenate3A {strides = array<i32>} : memref<3200x8xf32, #tpu.memory_space<vmem>>, vector<3200x8xf32>,
    return
  }
  func.func @transform_0(%arg0: i32) -> (i32, i32) {
    %c0_i32 = arith.constant 0 : i32
    %c0_i32_0 = arith.constant 0 : i32
    return %c0_i32, %arg0 : i32, i32
  }
  func.func @transform_1(%arg0: i32) -> (i32, i32) {
    %c0_i32 = arith.constant 0 : i32
    %c0_i32_0 = arith.constant 0 : i32
    return %arg0, %c0_i32 : i32, i32
  }
  func.func @transform_2(%arg0: i32) -> (i32, i32) {
    %c0_i32 = arith.constant 0 : i32
    %c0_i32_0 = arith.constant 0 : i32
    %c0_i32_1 = arith.constant 0 : i32
    return %c0_i32, %c0_i32_0 : i32, i32
  }
  func.func @transform_3(%arg0: i32) -> (i32, i32) {
    %c0_i32 = arith.constant 0 : i32
    %c0_i32_0 = arith.constant 0 : i32
    %c0_i32_1 = arith.constant 0 : i32
    return %c0_i32, %c0_i32_0 : i32, i32
  }
  func.func @transform_4(%arg0: i32) -> (i32, i32) {
    %c0_i32 = arith.constant 0 : i32
    %c0_i32_0 = arith.constant 0 : i32
    %c0_i32_1 = arith.constant 0 : i32
    return %c0_i32, %c0_i32_0 : i32, i32
  }
  func.func @transform_5(%arg0: i32) -> (i32, i32) {
    %c0_i32 = arith.constant 0 : i32
    %c0_i32_0 = arith.constant 0 : i32
    %c0_i32_1 = arith.constant 0 : i32
    return %c0_i32, %c0_i32_0 : i32, i32
  }
  func.func @transform_6(%arg0: i32) -> (i32, i32) {
    %c0_i32 = arith.constant 0 : i32
    %c0_i32_0 = arith.constant 0 : i32
    return %arg0, %c0_i32 : i32, i32
  }
}

module attributes {stable_mosaic.version = 14 : i64} {
  func.func @_tc_finish_body(%arg0: i32, %arg1: memref<2x10240x8xf32, #tpu.memory_space<vmem>>, %arg2: memref<1x8xf32, #tpu.memory_space<vmem>>, %arg3: memref<1x8xf32, #tpu.memory_space<vmem>>, %arg4: memref<10240x16xf32, #tpu.memory_space<vmem>>) attributes {dimension_semantics = [#tpu.dimension_semantics<arbitrary>], iteration_bounds = array<i64: 1>, scalar_prefetch = 0 : i64, scratch_operands = 0 : i64, tpu.core_type = #tpu.core_type<tc>, window_params = [{pipeline_mode = #tpu.pipeline_mode<synchronous>, transform_indices = @transform_0, window_bounds = array<i64: 2, 10240, 8>}, {pipeline_mode = #tpu.pipeline_mode<synchronous>, transform_indices = @transform_1, window_bounds = array<i64: 1, 8>}, {pipeline_mode = #tpu.pipeline_mode<synchronous>, transform_indices = @transform_2, window_bounds = array<i64: 1, 8>}, {pipeline_mode = #tpu.pipeline_mode<synchronous>, transform_indices = @transform_3, window_bounds = array<i64: 10240, 16>}]} {
    %get3A = arith.constant 0 : index
    %get3A_0 = arith.constant 0 : index
    %get3A_1 = arith.constant 0 : index
    %get3A_2 = vector.load %arg1[%get3A, %get3A_0, %get3A_1] : memref<2x10240x8xf32, #tpu.memory_space<vmem>>, vector<1x10240x8xf32>
    %get3A_3 = vector.shape_cast %get3A_2 : vector<1x10240x8xf32> to vector<10240x8xf32>
    %get3A_4 = arith.constant 1 : index
    %get3A_5 = arith.constant 0 : index
    %get3A_6 = arith.constant 0 : index
    %get3A_7 = vector.load %arg1[%get3A_4, %get3A_5, %get3A_6] : memref<2x10240x8xf32, #tpu.memory_space<vmem>>, vector<1x10240x8xf32>
    %get3A_8 = vector.shape_cast %get3A_7 : vector<1x10240x8xf32> to vector<10240x8xf32>
    %add3A = arith.addf %get3A_3, %get3A_8 : vector<10240x8xf32>
    %get3A_9 = arith.constant 0 : index
    %get3A_10 = arith.constant 0 : index
    %get3A_11 = vector.load %arg3[%get3A_9, %get3A_10] : memref<1x8xf32, #tpu.memory_space<vmem>>, vector<1x8xf32>
    %mul3A = vector.broadcast %get3A_11 : vector<1x8xf32> to vector<10240x8xf32>
    %mul3A_12 = arith.mulf %add3A, %mul3A : vector<10240x8xf32>
    %reduce_sum3A = arith.constant dense<0.000000e+00> : vector<10240xf32>
    %reduce_sum3A_13 = vector.multi_reduction <add>, %mul3A_12, %reduce_sum3A [1] : vector<10240x8xf32> to vector<10240xf32>
    %broadcast_in_dim3A = vector.shape_cast %reduce_sum3A_13 : vector<10240xf32> to vector<10240x1xf32>
    %max3A = arith.constant 1.000000e+00 : f32
    %max3A_14 = vector.broadcast %max3A : f32 to vector<10240x1xf32>
    %max3A_15 = arith.maximumf %broadcast_in_dim3A, %max3A_14 : vector<10240x1xf32>
    %div3A = vector.broadcast %max3A_15 : vector<10240x1xf32> to vector<10240x8xf32>
    %div3A_16 = arith.divf %add3A, %div3A : vector<10240x8xf32>
    %get3A_17 = arith.constant 0 : index
    %get3A_18 = arith.constant 0 : index
    %get3A_19 = vector.load %arg2[%get3A_17, %get3A_18] : memref<1x8xf32, #tpu.memory_space<vmem>>, vector<1x8xf32>
    %add3A_20 = vector.broadcast %get3A_19 : vector<1x8xf32> to vector<10240x8xf32>
    %add3A_21 = arith.addf %div3A_16, %add3A_20 : vector<10240x8xf32>
    %max3A_22 = arith.constant 0.000000e+00 : f32
    %max3A_23 = vector.broadcast %max3A_22 : f32 to vector<10240x8xf32>
    %max3A_24 = arith.maximumf %add3A_21, %max3A_23 : vector<10240x8xf32>
    %broadcast_in_dim3A_25 = arith.constant 1.000000e+00 : f32
    %broadcast_in_dim3A_26 = vector.broadcast %broadcast_in_dim3A_25 : f32 to vector<1x4xf32>
    %broadcast_in_dim3A_27 = arith.constant 0.000000e+00 : f32
    %broadcast_in_dim3A_28 = vector.broadcast %broadcast_in_dim3A_27 : f32 to vector<1x4xf32>
    %concatenate3A = tpu.concatenate %broadcast_in_dim3A_26, %broadcast_in_dim3A_28 in 1 : vector<1x4xf32>, vector<1x4xf32> -> vector<1x8xf32>
    %mul3A_29 = vector.broadcast %concatenate3A : vector<1x8xf32> to vector<10240x8xf32>
    %mul3A_30 = arith.mulf %max3A_24, %mul3A_29 : vector<10240x8xf32>
    %broadcast_in_dim3A_31 = arith.constant 0.000000e+00 : f32
    %broadcast_in_dim3A_32 = vector.broadcast %broadcast_in_dim3A_31 : f32 to vector<10240x8xf32>
    %concatenate3A_33 = tpu.concatenate %mul3A_30, %broadcast_in_dim3A_32 in 1 : vector<10240x8xf32>, vector<10240x8xf32> -> vector<10240x16xf32>
    %swap3A = arith.constant 0 : index
    %swap3A_34 = arith.constant 0 : index
    %swap3A_35 = vector.load %arg4[%swap3A, %swap3A_34] : memref<10240x16xf32, #tpu.memory_space<vmem>>, vector<10240x16xf32>
    tpu.vector_store %arg4[%swap3A, %swap3A_34], %concatenate3A_33 {strides = array<i32>} : memref<10240x16xf32, #tpu.memory_space<vmem>>, vector<10240x16xf32>,
    return
  }
  func.func @transform_0(%arg0: i32) -> (i32, i32, i32) {
    %c0_i32 = arith.constant 0 : i32
    %c0_i32_0 = arith.constant 0 : i32
    %c0_i32_1 = arith.constant 0 : i32
    %c0_i32_2 = arith.constant 0 : i32
    return %c0_i32, %c0_i32_0, %c0_i32_1 : i32, i32, i32
  }
  func.func @transform_1(%arg0: i32) -> (i32, i32) {
    %c0_i32 = arith.constant 0 : i32
    %c0_i32_0 = arith.constant 0 : i32
    %c0_i32_1 = arith.constant 0 : i32
    return %c0_i32, %c0_i32_0 : i32, i32
  }
  func.func @transform_2(%arg0: i32) -> (i32, i32) {
    %c0_i32 = arith.constant 0 : i32
    %c0_i32_0 = arith.constant 0 : i32
    %c0_i32_1 = arith.constant 0 : i32
    return %c0_i32, %c0_i32_0 : i32, i32
  }
  func.func @transform_3(%arg0: i32) -> (i32, i32) {
    %c0_i32 = arith.constant 0 : i32
    %c0_i32_0 = arith.constant 0 : i32
    %c0_i32_1 = arith.constant 0 : i32
    return %c0_i32, %c0_i32_0 : i32, i32
  }
}

module attributes {stable_mosaic.version = 14 : i64} {
  func.func @_tc_cls_body(%arg0: i32, %arg1: memref<512x128xf32, #tpu.memory_space<vmem>>, %arg2: memref<512x128xf32, #tpu.memory_space<vmem>>, %arg3: memref<512x128xf32, #tpu.memory_space<vmem>>, %arg4: memref<128x64xf32, #tpu.memory_space<vmem>>, %arg5: memref<128x64xf32, #tpu.memory_space<vmem>>, %arg6: memref<128x64xf32, #tpu.memory_space<vmem>>, %arg7: memref<1x64xf32, #tpu.memory_space<vmem>>, %arg8: memref<64x128xf32, #tpu.memory_space<vmem>>, %arg9: memref<1x128xf32, #tpu.memory_space<vmem>>, %arg10: memref<512x128xf32, #tpu.memory_space<vmem>>) attributes {dimension_semantics = [#tpu.dimension_semantics<arbitrary>], iteration_bounds = array<i64: 25>, scalar_prefetch = 0 : i64, scratch_operands = 0 : i64, tpu.core_type = #tpu.core_type<tc>, window_params = [{transform_indices = @transform_0, window_bounds = array<i64: 512, 128>}, {transform_indices = @transform_1, window_bounds = array<i64: 512, 128>}, {transform_indices = @transform_2, window_bounds = array<i64: 512, 128>}, {pipeline_mode = #tpu.pipeline_mode<synchronous>, transform_indices = @transform_3, window_bounds = array<i64: 128, 64>}, {pipeline_mode = #tpu.pipeline_mode<synchronous>, transform_indices = @transform_4, window_bounds = array<i64: 128, 64>}, {pipeline_mode = #tpu.pipeline_mode<synchronous>, transform_indices = @transform_5, window_bounds = array<i64: 128, 64>}, {pipeline_mode = #tpu.pipeline_mode<synchronous>, transform_indices = @transform_6, window_bounds = array<i64: 1, 64>}, {pipeline_mode = #tpu.pipeline_mode<synchronous>, transform_indices = @transform_7, window_bounds = array<i64: 64, 128>}, {pipeline_mode = #tpu.pipeline_mode<synchronous>, transform_indices = @transform_8, window_bounds = array<i64: 1, 128>}, {transform_indices = @transform_9, window_bounds = array<i64: 512, 128>}]} {
    %get3A = arith.constant 0 : index
    %get3A_0 = arith.constant 0 : index
    %get3A_1 = vector.load %arg1[%get3A, %get3A_0] : memref<512x128xf32, #tpu.memory_space<vmem>>, vector<512x128xf32>
    %get3A_2 = arith.constant 0 : index
    %get3A_3 = arith.constant 0 : index
    %get3A_4 = vector.load %arg4[%get3A_2, %get3A_3] : memref<128x64xf32, #tpu.memory_space<vmem>>, vector<128x64xf32>
    %dot_general3A = arith.constant dense<0.000000e+00> : vector<512x64xf32>
    %dot_general3A_5 = tpu.matmul %get3A_1, %get3A_4, %dot_general3A {dimension_numbers = #tpu.dot_dimension_numbers<[1], [0], [0], [1], [0, 0, 1, 1], [], []>, transpose_lhs_hint = false} : vector<512x128xf32>, vector<128x64xf32>, vector<512x64xf32> -> vector<512x64xf32>
    %get3A_6 = arith.constant 0 : index
    %get3A_7 = arith.constant 0 : index
    %get3A_8 = vector.load %arg2[%get3A_6, %get3A_7] : memref<512x128xf32, #tpu.memory_space<vmem>>, vector<512x128xf32>
    %get3A_9 = arith.constant 0 : index
    %get3A_10 = arith.constant 0 : index
    %get3A_11 = vector.load %arg5[%get3A_9, %get3A_10] : memref<128x64xf32, #tpu.memory_space<vmem>>, vector<128x64xf32>
    %dot_general3A_12 = arith.constant dense<0.000000e+00> : vector<512x64xf32>
    %dot_general3A_13 = tpu.matmul %get3A_8, %get3A_11, %dot_general3A_12 {dimension_numbers = #tpu.dot_dimension_numbers<[1], [0], [0], [1], [0, 0, 1, 1], [], []>, transpose_lhs_hint = false} : vector<512x128xf32>, vector<128x64xf32>, vector<512x64xf32> -> vector<512x64xf32>
    %add3A = arith.addf %dot_general3A_5, %dot_general3A_13 : vector<512x64xf32>
    %get3A_14 = arith.constant 0 : index
    %get3A_15 = arith.constant 0 : index
    %get3A_16 = vector.load %arg3[%get3A_14, %get3A_15] : memref<512x128xf32, #tpu.memory_space<vmem>>, vector<512x128xf32>
    %get3A_17 = arith.constant 0 : index
    %get3A_18 = arith.constant 0 : index
    %get3A_19 = vector.load %arg6[%get3A_17, %get3A_18] : memref<128x64xf32, #tpu.memory_space<vmem>>, vector<128x64xf32>
    %dot_general3A_20 = arith.constant dense<0.000000e+00> : vector<512x64xf32>
    %dot_general3A_21 = tpu.matmul %get3A_16, %get3A_19, %dot_general3A_20 {dimension_numbers = #tpu.dot_dimension_numbers<[1], [0], [0], [1], [0, 0, 1, 1], [], []>, transpose_lhs_hint = false} : vector<512x128xf32>, vector<128x64xf32>, vector<512x64xf32> -> vector<512x64xf32>
    %add3A_22 = arith.addf %add3A, %dot_general3A_21 : vector<512x64xf32>
    %get3A_23 = arith.constant 0 : index
    %get3A_24 = arith.constant 0 : index
    %get3A_25 = vector.load %arg7[%get3A_23, %get3A_24] : memref<1x64xf32, #tpu.memory_space<vmem>>, vector<1x64xf32>
    %add3A_26 = vector.broadcast %get3A_25 : vector<1x64xf32> to vector<512x64xf32>
    %add3A_27 = arith.addf %add3A_22, %add3A_26 : vector<512x64xf32>
    %max3A = arith.constant 0.000000e+00 : f32
    %max3A_28 = vector.broadcast %max3A : f32 to vector<512x64xf32>
    %max3A_29 = arith.maximumf %add3A_27, %max3A_28 : vector<512x64xf32>
    %get3A_30 = arith.constant 0 : index
    %get3A_31 = arith.constant 0 : index
    %get3A_32 = vector.load %arg8[%get3A_30, %get3A_31] : memref<64x128xf32, #tpu.memory_space<vmem>>, vector<64x128xf32>
    %dot_general3A_33 = arith.constant dense<0.000000e+00> : vector<512x128xf32>
    %dot_general3A_34 = tpu.matmul %max3A_29, %get3A_32, %dot_general3A_33 {dimension_numbers = #tpu.dot_dimension_numbers<[1], [0], [0], [1], [0, 0, 1, 1], [], []>, transpose_lhs_hint = false} : vector<512x64xf32>, vector<64x128xf32>, vector<512x128xf32> -> vector<512x128xf32>
    %get3A_35 = arith.constant 0 : index
    %get3A_36 = arith.constant 0 : index
    %get3A_37 = vector.load %arg9[%get3A_35, %get3A_36] : memref<1x128xf32, #tpu.memory_space<vmem>>, vector<1x128xf32>
    %add3A_38 = vector.broadcast %get3A_37 : vector<1x128xf32> to vector<512x128xf32>
    %add3A_39 = arith.addf %dot_general3A_34, %add3A_38 : vector<512x128xf32>
    %swap3A = arith.constant 0 : index
    %swap3A_40 = arith.constant 0 : index
    %swap3A_41 = vector.load %arg10[%swap3A, %swap3A_40] : memref<512x128xf32, #tpu.memory_space<vmem>>, vector<512x128xf32>
    tpu.vector_store %arg10[%swap3A, %swap3A_40], %add3A_39 {strides = array<i32>} : memref<512x128xf32, #tpu.memory_space<vmem>>, vector<512x128xf32>,
    return
  }
  func.func @transform_0(%arg0: i32) -> (i32, i32) {
    %c0_i32 = arith.constant 0 : i32
    %c0_i32_0 = arith.constant 0 : i32
    return %arg0, %c0_i32 : i32, i32
  }
  func.func @transform_1(%arg0: i32) -> (i32, i32) {
    %c0_i32 = arith.constant 0 : i32
    %c0_i32_0 = arith.constant 0 : i32
    return %arg0, %c0_i32 : i32, i32
  }
  func.func @transform_2(%arg0: i32) -> (i32, i32) {
    %c0_i32 = arith.constant 0 : i32
    %c0_i32_0 = arith.constant 0 : i32
    return %arg0, %c0_i32 : i32, i32
  }
  func.func @transform_3(%arg0: i32) -> (i32, i32) {
    %c0_i32 = arith.constant 0 : i32
    %c0_i32_0 = arith.constant 0 : i32
    %c0_i32_1 = arith.constant 0 : i32
    return %c0_i32, %c0_i32_0 : i32, i32
  }
  func.func @transform_4(%arg0: i32) -> (i32, i32) {
    %c0_i32 = arith.constant 0 : i32
    %c0_i32_0 = arith.constant 0 : i32
    %c0_i32_1 = arith.constant 0 : i32
    return %c0_i32, %c0_i32_0 : i32, i32
  }
  func.func @transform_5(%arg0: i32) -> (i32, i32) {
    %c0_i32 = arith.constant 0 : i32
    %c0_i32_0 = arith.constant 0 : i32
    %c0_i32_1 = arith.constant 0 : i32
    return %c0_i32, %c0_i32_0 : i32, i32
  }
  func.func @transform_6(%arg0: i32) -> (i32, i32) {
    %c0_i32 = arith.constant 0 : i32
    %c0_i32_0 = arith.constant 0 : i32
    %c0_i32_1 = arith.constant 0 : i32
    return %c0_i32, %c0_i32_0 : i32, i32
  }
  func.func @transform_7(%arg0: i32) -> (i32, i32) {
    %c0_i32 = arith.constant 0 : i32
    %c0_i32_0 = arith.constant 0 : i32
    %c0_i32_1 = arith.constant 0 : i32
    return %c0_i32, %c0_i32_0 : i32, i32
  }
  func.func @transform_8(%arg0: i32) -> (i32, i32) {
    %c0_i32 = arith.constant 0 : i32
    %c0_i32_0 = arith.constant 0 : i32
    %c0_i32_1 = arith.constant 0 : i32
    return %c0_i32, %c0_i32_0 : i32, i32
  }
  func.func @transform_9(%arg0: i32) -> (i32, i32) {
    %c0_i32 = arith.constant 0 : i32
    %c0_i32_0 = arith.constant 0 : i32
    return %arg0, %c0_i32 : i32, i32
  }
}

</mosaic_0001>

<sc_bundles>
// kernel: kernel.12.cloned.1.call-start
scs
__scs_entry_jumppad:
0x0: {  	(pc) =	sbr.rel $0x88, $3  }
0x1: {  	(tag) =	ssettag $0x0;
	lr =	simm.s32 $0x1  }
0x2: {  	[smem:$0x3F94] =	sst lr;
	_ =	strace $0xD0000000  }
0x3: {  	_ = 	snop  }
0x4: {  	_ = 	snop  }
0x5: {  	_ = 	snop  }
0x6: {  	_ = 	snop  }
0x7: {  	_ = 	snop  }
__scs_overlays_trampoline_lowered:
0x8: {  	[smem:$0x3FA3] =	sst s0  }
0x9: {  	[smem:$0x3FA4] =	sst s1  }
0xa: {  	[smem:$0x3FA5] =	sst s2  }
0xb: {  	[smem:$0x3FA6] =	sst s3  }
0xc: {  	[smem:$0x3FA7] =	sst s4  }
0xd: {  	[smem:$0x3FA8] =	sst s5  }
0xe: {  	[smem:$0x3FA9] =	sst s6  }
0xf: {  	[smem:$0x3FAA] =	sst s7  }
0x10: {  	[smem:$0x3FAB] =	sst s8  }
0x11: {  	[smem:$0x3FAC] =	sst s9;
	s0 =	simm.s32 @!p0 $0x0  }
0x12: {  	s1 =	sld [smem:$0x3F92];
	s0 =	simm.s32 @p0 $0x1  }
0x13: {  	[smem:$0x3FAD] =	sst s0;
	s0 =	simm.s32 @!p1 $0x0  }
0x14: {  	s2 =	sld [smem:$0x3F91];
	s0 =	simm.s32 @p1 $0x1  }
0x15: {  	[smem:$0x3FAE] =	sst s0;
	s0 =	simm.s32 @!p2 $0x0  }
0x16: {  	s3 =	sld [smem:$0x3FDB];
	s0 =	simm.s32 @p2 $0x1  }
0x17: {  	s4 =	simm.s32 $0x1BF5;
	[smem:$0x3FB0] =	sst s0  }
0x18: {  	s0 =	sld [smem:$0x3F93];
	_ =	swait.ge [sflag:s4], $0x0  }
0x19: {  	s7 =	sld [smem:$0x3F94]  }
0x1a: {  	s8 =	sadd.s32 $0xFFFFE003, lr  }
0x1b: {  	s9 =	sadd.s32 $0xFFFFFEF7, lr;
	s5 =	simm.s32 $0xFFFFFFFF;
	p2 =	slt.u32 s8, $0xFFFFF086  }
0x1c: {  	p1 =	slt.u32 s9, $0xF7A;
	s5 =	simm.s32 @!p2 $0x0  }
0x1d: {  	s5 =	simm.s32 @p1 $0x1;
	p0 =	seq.s32 s7, s2  }
0x1e: {  	s7 =	smul.u32 @!p0 $0xF7A, s2;
	p2 =	seq.s32 @!p0 s5, $0x0  }
0x1f: {  	s9 =	smul.u32 $0xF7A, s1;
	s8 =	simm.s32 @!p0 $0x1BF5;
	p2 =	por !p2, p0  }
0x20: {  	[sflag:s8] =	ssyncset.s32 @!p0 $0xFFFFF086;
	s6 =	sadd.s32 @!p0 s3, s7;
	s7 =	simm.s32 @!p0 $0x108  }
0x21: {  	s3 =	sadd.s32 s3, s9;
	s6 =	sadd.s32 @!p0 $0x88, s6;
	s7 =	simm.s32 @p2 $0x1082  }
0x22: {  	[simem:s7], [sflag:s8] =	dma.local @!p0 [hbm:s6], $0xF7A  }
0x23: {  	s9 =	sor.u32 $0xD0000000, s2;
	s6 =	simm.s32 $0x108;
	_ =	swait.ge @!p0 [sflag:s8], $0x0  }
0x24: {  	s3 =	sadd.s32 $0x88, s3;
	s6 =	simm.s32 @!p1 $0x1082;
	[sflag:s4] =	ssyncset.s32 $0xFFFFF086  }
0x25: {  	[simem:s6], [sflag:s4] =	dma.local [hbm:s3], $0xF7A  }
0x26: {  	[smem:$0x3F94] =	sst s1;
	(tag) =	ssettag s2;
	_ =	strace s9  }
0x27: {  	s1 =	sld [smem:$0x3FA4]  }
0x28: {  	s2 =	sld [smem:$0x3FA5]  }
0x29: {  	s4 =	sld [smem:$0x3FA7]  }
0x2a: {  	p0 =	seq.s32 s5, $0x0;
	s5 =	sld [smem:$0x3FA8]  }
0x2b: {  	s6 =	sld [smem:$0x3FA9]  }
0x2c: {  	s7 =	sld [smem:$0x3FAA]  }
0x2d: {  	s3 =	simm.s32 $0x108;
	s8 =	sld [smem:$0x3FAB]  }
0x2e: {  	s3 =	simm.s32 @!p0 $0x1082;
	s9 =	sld [smem:$0x3FAC]  }
0x2f: {  	lr =	sadd.s32 s0, s3;
	s0 =	sld [smem:$0x3FA3]  }
0x30: {  	s3 =	sld [smem:$0x3FA6]  }
0x31: {  	[smem:$0x3FAF] =	sst s10  }
0x32: {  	s10 =	sld [smem:$0x3FAD];
	_ =	sdelay $0x3  }
0x33: {  	p0 =	seq.s32 s10, $0x1;
	s10 =	sld [smem:$0x3FAF];
	_ =	sdelay $0x3  }
0x34: {  	[smem:$0x3FAF] =	sst s10  }
0x35: {  	s10 =	sld [smem:$0x3FAE];
	_ =	sdelay $0x3  }
0x36: {  	p1 =	seq.s32 s10, $0x1;
	s10 =	sld [smem:$0x3FAF];
	_ =	sdelay $0x3  }
0x37: {  	[smem:$0x3FAF] =	sst s10  }
0x38: {  	s10 =	sld [smem:$0x3FB0]  }
0x39: {  	_ = 	snop;
	(pc) =	sbr.ind lr, $3  }
0x3a: {  	_ = 	snop  }
0x3b: {  	_ = 	snop  }
0x3c: {  	p2 =	seq.s32 s10, $0x1;
	s10 =	sld [smem:$0x3FAF]  }
0x3d: {  	_ =	shalt  }
0x3e: {  	_ =	shalt  }
0x3f: {  	_ =	shalt  }
0x40: {  	_ =	shalt  }
0x41: {  	_ =	shalt  }
0x42: {  	_ =	shalt  }
0x43: {  	_ =	shalt  }
0x44: {  	_ =	shalt  }
0x45: {  	_ =	shalt  }
0x46: {  	_ =	shalt  }
0x47: {  	_ =	shalt  }
0x48: {  	_ =	shalt  }
0x49: {  	_ =	shalt  }
0x4a: {  	_ =	shalt  }
0x4b: {  	_ =	shalt  }
0x4c: {  	_ =	shalt  }
0x4d: {  	_ =	shalt  }
0x4e: {  	_ =	shalt  }
0x4f: {  	_ =	shalt  }
0x50: {  	_ =	shalt  }
0x51: {  	_ =	shalt  }
0x52: {  	_ =	shalt  }
0x53: {  	_ =	shalt  }
0x54: {  	_ =	shalt  }
0x55: {  	_ =	shalt  }
0x56: {  	_ =	shalt  }
0x57: {  	_ =	shalt  }
0x58: {  	_ =	shalt  }
0x59: {  	_ =	shalt  }
0x5a: {  	_ =	shalt  }
0x5b: {  	_ =	shalt  }
0x5c: {  	_ =	shalt  }
0x5d: {  	_ =	shalt  }
0x5e: {  	_ =	shalt  }
0x5f: {  	_ =	shalt  }
0x60: {  	_ =	shalt  }
0x61: {  	_ =	shalt  }
0x62: {  	_ =	shalt  }
0x63: {  	_ =	shalt  }
0x64: {  	_ =	shalt  }
0x65: {  	_ =	shalt  }
0x66: {  	_ =	shalt  }
0x67: {  	_ =	shalt  }
0x68: {  	_ =	shalt  }
0x69: {  	_ =	shalt  }
0x6a: {  	_ =	shalt  }
0x6b: {  	_ =	shalt  }
0x6c: {  	_ =	shalt  }
0x6d: {  	_ =	shalt  }
0x6e: {  	_ =	shalt  }
0x6f: {  	_ =	shalt  }
0x70: {  	_ =	shalt  }
0x71: {  	_ =	shalt  }
0x72: {  	_ =	shalt  }
0x73: {  	_ =	shalt  }
0x74: {  	_ =	shalt  }
0x75: {  	_ =	shalt  }
0x76: {  	_ =	shalt  }
0x77: {  	_ =	shalt  }
0x78: {  	_ =	shalt  }
0x79: {  	_ =	shalt  }
0x7a: {  	_ =	shalt  }
0x7b: {  	_ =	shalt  }
0x7c: {  	_ =	shalt  }
0x7d: {  	_ =	shalt  }
0x7e: {  	_ =	shalt  }
0x7f: {  	_ =	shalt  }
0x80: {  	_ =	shalt  }
0x81: {  	_ =	shalt  }
0x82: {  	_ =	shalt  }
0x83: {  	_ =	shalt  }
0x84: {  	_ =	shalt  }
0x85: {  	_ =	shalt  }
0x86: {  	_ =	shalt  }
0x87: {  	_ =	shalt  }
.Lfunc_end0:
.L_simem_size_0:
called_computation.1_lowered:
.L_overlay_start_0:
0x88: {  	s2 =	sld [smem:$0x3FD9]  }
0x89: {  	s3 =	sld [smem:$0x3FFE];
	_ =	sdelay $0x1  }
0x8a: {  	s1 =	srdreg.scid  }
0x8b: {  	s0 =	sand.u32 $0x1, s1  }
0x8c: {  	s17 =	sshll.u32 s0, $0xA;
	s2 =	sadd.s32 s3, s2  }
0x8d: {  	s2 =	sadd.s32 s2, s17  }
0x8e: {  	[smem:$0x3FBB] =	sst s2  }
0x8f: {  	_ = 	snop  }
0x90: {  	(tm) =	ssettm $0x1  }
0x91: {  	s18 =	sld [smem:$0x3FFB];
	_ =	sdelay $0x3  }
0x92: {  	_ =	strace s18  }
0x93: {  	s2 =	sld [smem:$0x3FFC];
	_ =	sdelay $0x3  }
0x94: {  	_ =	strace s2  }
0x95: {  	s2 =	sld [smem:$0x3FFD];
	_ =	sdelay $0x3  }
0x96: {  	_ =	strace s2  }
0x97: {  	_ =	strace $0x8FFFFFFF  }
0x98: {  	s19 =	sld [smem:$0x3FDB];
	_ =	sdelay $0x1  }
0x99: {  	s20 =	simm.s32 $_scs_section_size  }
0x9a: {  	s4 =	simm.s32 $_size__tile_overlayer_lowered;
	s5 =	simm.s32 $_tile_overlayer_lowered  }
0x9b: {  	s6 =	simm.s32 $0x1BFF;
	s21 =	sshll.u32 s5, $0x1;
	s3 =	sadd.s32 s20, s19  }
0x9c: {  	s22 =	simm.s32 $0x0;
	s4 =	sshll.u32 s4, $0x1;
	s5 =	sadd.s32 s21, s3  }
0x9d: {  	[timem:s22], [sflag:s6] =	dma.local [hbm:s5], s4  }
0x9e: {  	_ =	swait.ge [sflag:s6], s4  }
0x9f: {  	s4 =	ssub.s32 $0x0, s4;
	[sflag:s6] =	ssyncset.done $0x0  }
0xa0: {  	[sflag:s6] =	ssyncadd.s32 s4;
	_ =	sdelay $0x1  }
0xa1: {  	s23 =	simm.s32 $0x1B8B  }
0xa2: {  	_ =	swait.ge [sflag:s23], $0x1  }
0xa3: {  	[sflag:s23] =	ssyncset.done $0x0  }
0xa4: {  	[sflag:s23] =	ssyncadd.s32 $0xFFFFFFFF  }
0xa5: {  	s4 =	sld [smem:$0x0]  }
0xa6: {  	s5 =	sand.u32 $0xFFFFFFFE, s1  }
0xa7: {  	p0 =	sne.s32 s1, s5  }
0xa8: {  	s5 =	sshll.u32 @p0 s5, $0xE  }
0xa9: {  	s5 =	sadd.s32 @p0 $0x11B8D, s5;
	s6 =	sshll.u32 @p0 s4, $0x11  }
0xaa: {  	s5 =	sor.u32 @p0 s6, s5  }
0xab: {  	[sflag:s5] =	ssyncadd.remote.s32 @p0 $0x1;
	_ =	sdelay $0x1  }
0xac: {  	s5 =	simm.s32 @p0 $0x1B8D  }
0xad: {  	_ =	swait.eq @p0 [sflag:s5], $0x1  }
0xae: {  	[sflag:s5] =	ssyncadd.s32 @p0 $0xFFFFFFFF  }
0xaf: {  	s6 =	sshll.u32 @!p0 s1, $0xE  }
0xb0: {  	s6 =	sor.u32 @!p0 $0x4000, s6;
	s5 =	simm.s32 @!p0 $0x1B8D  }
0xb1: {  	s4 =	sshll.u32 @!p0 s4, $0x11;
	s6 =	sadd.s32 @!p0 $0x11B8D, s6;
	_ =	swait.eq @!p0 [sflag:s5], $0x1  }
0xb2: {  	s4 =	sor.u32 @!p0 s4, s6;
	[sflag:s5] =	ssyncadd.s32 @!p0 $0xFFFFFFFF  }
0xb3: {  	s25 =	simm.s32 $0x1B8E;
	s24 =	sld [smem:$0x3FFE];
	[sflag:s4] =	ssyncadd.remote.s32 @!p0 $0x1  }
0xb4: {  	s26 =	simm.s32 $execute0_lowered;
	[smem:$0x3FD2] =	sst s25  }
0xb5: {  	s5 =	sshll.u32 s26, $0x1;
	_ =	strace $0x8000004C;
	[dreg:$0x1] =	wrdreg $0xFFFFFFFF  }
0xb6: {  	s28 =	simm.s32 $_size_execute0_lowered;
	s3 =	sadd.s32 s3, s5;
	[dreg:$0x0] =	wrdreg $0x0  }
0xb7: {  	s5 =	sshll.u32 s28, $0x1;
	[dreg:$0x2] =	wrdreg s3  }
0xb8: {  	[dreg:$0x3] =	wrdreg s5  }
0xb9: {  	[dreg:$0x4] =	wrdreg $0xC0  }
0xba: {  	_ =	task [dreg:s22], $0x5FFFF  }
0xbb: {  	[dreg:$0x1] =	wrdreg $0xFFFFFFFF  }
0xbc: {  	[dreg:$0x0] =	wrdreg $0x60  }
0xbd: {  	[dreg:$0x2] =	wrdreg s24  }
0xbe: {  	[dreg:$0x3] =	wrdreg $0x9  }
0xbf: {  	_ =	task.clear_ibuf [dreg:s22], $0x4FFFF;
	_ =	strace $0x9000004C  }
0xc0: {  	s29 =	simm.s32 $0x9;
	_ =	strace $0x8000004E  }
0xc1: {  	_ =	swait.ge [sflag:s29], $0x1  }
0xc2: {  	[sflag:s29] =	ssyncadd.s32 $0xFFFFFFFF  }
0xc3: {  	_ =	strace $0x9000004E  }
0xc4: {  	_ =	sfence  }
0xc5: {  	s30 =	sld [smem:$0x0];
	_ =	sdelay $0x2  }
0xc6: {  	s31 =	sshll.u32 s1, $0xD;
	s1 =	sshrl.u32 s1, $0x2  }
0xc7: {  	s4 =	sand.u32 $0x4000, s31;
	s1 =	sadd.s32 s1, s30  }
0xc8: {  	s0 =	sor.u32 s4, s0;
	s1 =	sshll.u32 s1, $0x11  }
0xc9: {  	s0 =	sor.u32 s1, s0  }
0xca: {  	s0 =	sadd.s32 $0x8F2B, s0  }
0xcb: {  	[sflag:s0] =	ssyncadd.remote.s32 $0x1  }
0xcc: {  	_ =	sfence.sel $0xFFFF  }
0xcd: {  	[dreg:$0x0] =	wrdreg $0xFFFFFFFF;
	(pc) =	sbr.abs _section_cstart, $3  }
0xce: {  	[dreg:$0x1] =	wrdreg $0xFFFFFFFF  }
0xcf: {  	_ =	task.clear_ibuf [dreg:s22], $0x2FFFF;
	_ =	strace $0x9FFFFFFF  }
0xd0: {  	(tm) =	ssettm $0x7FFFFFFF  }
0xd1: {  	_ =	shalt  }
tec
execute0_lowered:
.L_overlay_start_1:
0x0: {  	(tag) =	ssettag $0x1  }
0x1: {  	s1 =	srdreg.scid  }
0x2: {  	s0 =	stileid.u32;
	s5 =	rddreg [dreg:$0x0]  }
0x3: {  	s2 =	simm.s32 $0x0;
	s11 =	simm.s32 $0xC80;
	s12 =	simm.s32 $0x1  }
0x4: {  	s13 =	simm.s32 $0xD00;
	s14 =	simm.s32 $0x0;
	s4 =	sand.u32 $0x1, s1  }
0x5: {  	s29 =	sshll.u32 s0, $0x1;
	s6 =	smul.u32 $0x1900, s0;
	[smem:$0x7FF] =	sst s2  }
0x6: {  	s1 =	sor.u32 s4, s29;
	s7 =	smul.u32 $0xC80, s4;
	s30 =	ssub.s32 $0x2, s4  }
0x7: {  	s4 =	sadd.s32 $0x3200, s5;
	s3 =	smul.u32 $0xC80, s1;
	s1 =	rddreg [dreg:$0x1]  }
0x8: {  	_ =	strace $0x8000004D;
	s9 =	sshrl.u32 s30, $0x1;
	s6 =	sadd.s32 s7, s6  }
0x9: {  	s31 =	ssub.s32 s30, s9;
	s9 =	simm.s32 $0x2;
	s3 =	sshrl.u32 s3, $0x3  }
0xa: {  	s6 =	sshrl.u32 s6, $0x3;
	s8 =	sadd.s32 s3, s5;
	s3 =	sadd.s32 $0x8200, s5  }
0xb: {  	s10 =	sadd.s32 s6, s5;
	s6 =	smax.u32 s31, $0x1;
	s5 =	sadd.s32 $0x36C00, s8  }
0xc: {  	s7 =	sadd.s32 $0x3D000, s10;
	s8 =	sadd.s32 $0x39E00, s10;
	s10 =	simm.s32 $0x80  }
.LBB2_1:
0xd: {  	[tilespmem:s2], [sflag:$0x2] =	stream.linear.gather [hbm4b:s5+s2], $0xC80, $0x38;
	[tilespmem:$0xD80] =	vst v63  }
0xe: {  	_ =	swait.ge [sflag:s9], $0xC80  }
0xf: {  	[sflag:s9] =	ssyncset.done $0x0  }
0x10: {  	[sflag:s9] =	ssyncadd.s32 $0xFFFFF380  }
0x11: {  	[tilespmem:s11], [sflag:$0x1] =	stream.indirect.gather [hbm4b:s3+s10], $0x1, s2, s10, $0xb8;
	[tilespmem:$0xD80] =	vst v63  }
0x12: {  	_ =	swait.ge [sflag:s12], $0x80  }
0x13: {  	[sflag:s12] =	ssyncset.done $0x0  }
0x14: {  	[sflag:s12] =	ssyncadd.s32 $0xFFFFFF80  }
0x15: {  	[tilespmem:s13], [sflag:$0x1] =	stream.indirect.gather [hbm4b:s4+s10], $0x1, s2, s10, $0xb8;
	[tilespmem:$0xD80] =	vst v63  }
0x16: {  	_ =	swait.ge [sflag:s12], $0x80  }
0x17: {  	[sflag:s12] =	ssyncset.done $0x0  }
0x18: {  	s15 =	sadd.s32 $0x0, s8;
	[sflag:s12] =	ssyncadd.s32 $0xFFFFFF80  }
0x19: {  	[hbm4b:s15+s2] =	stream.linear.scatter [tilespmem:s11], [sflag:$0x2], $0x80, $0x38;
	[tilespmem:$0xD80] =	vst v63  }
0x1a: {  	_ =	swait.ge [sflag:s9], $0x80  }
0x1b: {  	[sflag:s9] =	ssyncset.done $0x0  }
0x1c: {  	s31 =	sadd.s32 $0x0, s7;
	[sflag:s9] =	ssyncadd.s32 $0xFFFFFF80  }
0x1d: {  	[hbm4b:s31+s2] =	stream.linear.scatter [tilespmem:s13], [sflag:$0x2], $0x80, $0x38;
	[tilespmem:$0xD80] =	vst v63  }
0x1e: {  	_ =	swait.ge [sflag:s9], $0x80  }
0x1f: {  	s16 =	simm.s32 $0x0;
	s15 =	simm.s32 $0x10;
	[sflag:s9] =	ssyncset.done $0x0  }
.LBB2_2:
0x20: {  	p0 =	sne.s32 s15, $0x180;
	[sflag:s9] =	ssyncadd.s32 $0xFFFFFF80;
	s16 =	sadd.s32 $0x80, s16  }
0x21: {  	[tilespmem:s11], [sflag:$0x1] =	stream.indirect.gather [hbm4b:s3+s10], $0x1, s16, s10, $0xb8;
	[tilespmem:$0xD80] =	vst v63  }
0x22: {  	s17 =	smov.u32 s15;
	s15 =	sadd.s32 $0x10, s15;
	_ =	swait.ge [sflag:s12], $0x80  }
0x23: {  	[sflag:s12] =	ssyncset.done $0x0  }
0x24: {  	[sflag:s12] =	ssyncadd.s32 $0xFFFFFF80  }
0x25: {  	[tilespmem:s13], [sflag:$0x1] =	stream.indirect.gather [hbm4b:s4+s10], $0x1, s16, s10, $0xb8;
	[tilespmem:$0xD80] =	vst v63  }
0x26: {  	_ =	swait.ge [sflag:s12], $0x80  }
0x27: {  	[sflag:s12] =	ssyncset.done $0x0  }
0x28: {  	s18 =	sadd.s32 s17, s8;
	[sflag:s12] =	ssyncadd.s32 $0xFFFFFF80  }
0x29: {  	[hbm4b:s18+s2] =	stream.linear.scatter [tilespmem:s11], [sflag:$0x2], $0x80, $0x38;
	[tilespmem:$0xD80] =	vst v63  }
0x2a: {  	_ =	swait.ge [sflag:s9], $0x80  }
.Ltmp0:
0x2b: {  	[sflag:s9] =	ssyncset.done $0x0;
	(pc) =	sbr.rel @p0 .LBB2_2-.Ltmp0, $4  }
0x2c: {  	s17 =	sadd.s32 s17, s7;
	[sflag:s9] =	ssyncadd.s32 $0xFFFFFF80  }
0x2d: {  	[hbm4b:s17+s2] =	stream.linear.scatter [tilespmem:s13], [sflag:$0x2], $0x80, $0x38;
	[tilespmem:$0xD80] =	vst v63  }
0x2e: {  	_ =	swait.ge [sflag:s9], $0x80  }
0x2f: {  	[sflag:s9] =	ssyncset.done $0x0  }
0x30: {  	s14 =	sadd.s32 $0x1, s14  }
0x31: {  	p0 =	sne.s32 s14, s6  }
.Ltmp1:
0x32: {  	_ = 	snop;
	(pc) =	sbr.rel @p0 .LBB2_1-.Ltmp1, $2  }
0x33: {  	_ =	sdelay $0x2  }
0x34: {  	[sflag:s9] =	ssyncadd.s32 $0xFFFFFF80  }
0x35: {  	_ =	sfence.sel $0x180000  }
0x36: {  	[bflag:$0x0] =	sbarrier.arrive $0xFFFF  }
0x37: {  	p0 =	sne.s32 s0, $0x0;
	_ =	strace $0x9000004D  }
0x38: {  	s0 =	sadd.s32 @!p0 $0x100000, s1;
	[bflag:$0x2] =	sbarrier.arrive $0xFFFF  }
0x39: {  	[sflag:s0] =	ssyncadd.tile.s32 @!p0 $0x1;
	_ =	shalt  }
.Lfunc_end2:
_tile_overlayer_lowered:
.L_overlay_start_2:
0x3a: {  	(tag) =	ssettag $0x2  }
0x3b: {  	s0 =	rddreg [dreg:$0x0];
	s2 =	stileid.u32  }
0x3c: {  	s1 =	rddreg [dreg:$0x1];
	p0 =	sne.s32 s2, $0x0  }
0x3d: {  	s3 =	rddreg [dreg:$0x2];
	[bflag:$0x3] =	sbarrier.arrive $0xFFFF;
	s2 =	simm.s32 @!p0 $0x1C02  }
0x3e: {  	[timem:s3], [sflag:s2] =	dma.local @!p0 [hbm:s0], s1  }
0x3f: {  	s0 =	simm.s32 @!p0 $0x2  }
0x40: {  	_ =	swait.ge @!p0 [sflag:s0], s1  }
0x41: {  	s1 =	ssub.s32 @!p0 $0x0, s1;
	[sflag:s0] =	ssyncset.done @!p0 $0x0  }
0x42: {  	[sflag:s0] =	ssyncadd.s32 @!p0 s1  }
0x43: {  	[bflag:$0x3] =	sbarrier.arrive $0xFFFF  }
0x44: {  	_ =	shalt  }

// kernel: kernel.15.cloned.1.call-start
scs
__scs_entry_jumppad:
0x0: {  	(pc) =	sbr.rel $0x88, $3  }
0x1: {  	(tag) =	ssettag $0x0;
	lr =	simm.s32 $0x1  }
0x2: {  	[smem:$0x3F94] =	sst lr;
	_ =	strace $0xD0000000  }
0x3: {  	_ = 	snop  }
0x4: {  	_ = 	snop  }
0x5: {  	_ = 	snop  }
0x6: {  	_ = 	snop  }
0x7: {  	_ = 	snop  }
__scs_overlays_trampoline_lowered:
0x8: {  	[smem:$0x3FA3] =	sst s0  }
0x9: {  	[smem:$0x3FA4] =	sst s1  }
0xa: {  	[smem:$0x3FA5] =	sst s2  }
0xb: {  	[smem:$0x3FA6] =	sst s3  }
0xc: {  	[smem:$0x3FA7] =	sst s4  }
0xd: {  	[smem:$0x3FA8] =	sst s5  }
0xe: {  	[smem:$0x3FA9] =	sst s6  }
0xf: {  	[smem:$0x3FAA] =	sst s7  }
0x10: {  	[smem:$0x3FAB] =	sst s8  }
0x11: {  	[smem:$0x3FAC] =	sst s9;
	s0 =	simm.s32 @!p0 $0x0  }
0x12: {  	s1 =	sld [smem:$0x3F92];
	s0 =	simm.s32 @p0 $0x1  }
0x13: {  	[smem:$0x3FAD] =	sst s0;
	s0 =	simm.s32 @!p1 $0x0  }
0x14: {  	s2 =	sld [smem:$0x3F91];
	s0 =	simm.s32 @p1 $0x1  }
0x15: {  	[smem:$0x3FAE] =	sst s0;
	s0 =	simm.s32 @!p2 $0x0  }
0x16: {  	s3 =	sld [smem:$0x3FDB];
	s0 =	simm.s32 @p2 $0x1  }
0x17: {  	s4 =	simm.s32 $0x1BF5;
	[smem:$0x3FB0] =	sst s0  }
0x18: {  	s0 =	sld [smem:$0x3F93];
	_ =	swait.ge [sflag:s4], $0x0  }
0x19: {  	s7 =	sld [smem:$0x3F94]  }
0x1a: {  	s8 =	sadd.s32 $0xFFFFE003, lr  }
0x1b: {  	s9 =	sadd.s32 $0xFFFFFEF7, lr;
	s5 =	simm.s32 $0xFFFFFFFF;
	p2 =	slt.u32 s8, $0xFFFFF086  }
0x1c: {  	p1 =	slt.u32 s9, $0xF7A;
	s5 =	simm.s32 @!p2 $0x0  }
0x1d: {  	s5 =	simm.s32 @p1 $0x1;
	p0 =	seq.s32 s7, s2  }
0x1e: {  	s7 =	smul.u32 @!p0 $0xF7A, s2;
	p2 =	seq.s32 @!p0 s5, $0x0  }
0x1f: {  	s9 =	smul.u32 $0xF7A, s1;
	s8 =	simm.s32 @!p0 $0x1BF5;
	p2 =	por !p2, p0  }
0x20: {  	[sflag:s8] =	ssyncset.s32 @!p0 $0xFFFFF086;
	s6 =	sadd.s32 @!p0 s3, s7;
	s7 =	simm.s32 @!p0 $0x108  }
0x21: {  	s3 =	sadd.s32 s3, s9;
	s6 =	sadd.s32 @!p0 $0x88, s6;
	s7 =	simm.s32 @p2 $0x1082  }
0x22: {  	[simem:s7], [sflag:s8] =	dma.local @!p0 [hbm:s6], $0xF7A  }
0x23: {  	s9 =	sor.u32 $0xD0000000, s2;
	s6 =	simm.s32 $0x108;
	_ =	swait.ge @!p0 [sflag:s8], $0x0  }
0x24: {  	s3 =	sadd.s32 $0x88, s3;
	s6 =	simm.s32 @!p1 $0x1082;
	[sflag:s4] =	ssyncset.s32 $0xFFFFF086  }
0x25: {  	[simem:s6], [sflag:s4] =	dma.local [hbm:s3], $0xF7A  }
0x26: {  	[smem:$0x3F94] =	sst s1;
	(tag) =	ssettag s2;
	_ =	strace s9  }
0x27: {  	s1 =	sld [smem:$0x3FA4]  }
0x28: {  	s2 =	sld [smem:$0x3FA5]  }
0x29: {  	s4 =	sld [smem:$0x3FA7]  }
0x2a: {  	p0 =	seq.s32 s5, $0x0;
	s5 =	sld [smem:$0x3FA8]  }
0x2b: {  	s6 =	sld [smem:$0x3FA9]  }
0x2c: {  	s7 =	sld [smem:$0x3FAA]  }
0x2d: {  	s3 =	simm.s32 $0x108;
	s8 =	sld [smem:$0x3FAB]  }
0x2e: {  	s3 =	simm.s32 @!p0 $0x1082;
	s9 =	sld [smem:$0x3FAC]  }
0x2f: {  	lr =	sadd.s32 s0, s3;
	s0 =	sld [smem:$0x3FA3]  }
0x30: {  	s3 =	sld [smem:$0x3FA6]  }
0x31: {  	[smem:$0x3FAF] =	sst s10  }
0x32: {  	s10 =	sld [smem:$0x3FAD];
	_ =	sdelay $0x3  }
0x33: {  	p0 =	seq.s32 s10, $0x1;
	s10 =	sld [smem:$0x3FAF];
	_ =	sdelay $0x3  }
0x34: {  	[smem:$0x3FAF] =	sst s10  }
0x35: {  	s10 =	sld [smem:$0x3FAE];
	_ =	sdelay $0x3  }
0x36: {  	p1 =	seq.s32 s10, $0x1;
	s10 =	sld [smem:$0x3FAF];
	_ =	sdelay $0x3  }
0x37: {  	[smem:$0x3FAF] =	sst s10  }
0x38: {  	s10 =	sld [smem:$0x3FB0]  }
0x39: {  	_ = 	snop;
	(pc) =	sbr.ind lr, $3  }
0x3a: {  	_ = 	snop  }
0x3b: {  	_ = 	snop  }
0x3c: {  	p2 =	seq.s32 s10, $0x1;
	s10 =	sld [smem:$0x3FAF]  }
0x3d: {  	_ =	shalt  }
0x3e: {  	_ =	shalt  }
0x3f: {  	_ =	shalt  }
0x40: {  	_ =	shalt  }
0x41: {  	_ =	shalt  }
0x42: {  	_ =	shalt  }
0x43: {  	_ =	shalt  }
0x44: {  	_ =	shalt  }
0x45: {  	_ =	shalt  }
0x46: {  	_ =	shalt  }
0x47: {  	_ =	shalt  }
0x48: {  	_ =	shalt  }
0x49: {  	_ =	shalt  }
0x4a: {  	_ =	shalt  }
0x4b: {  	_ =	shalt  }
0x4c: {  	_ =	shalt  }
0x4d: {  	_ =	shalt  }
0x4e: {  	_ =	shalt  }
0x4f: {  	_ =	shalt  }
0x50: {  	_ =	shalt  }
0x51: {  	_ =	shalt  }
0x52: {  	_ =	shalt  }
0x53: {  	_ =	shalt  }
0x54: {  	_ =	shalt  }
0x55: {  	_ =	shalt  }
0x56: {  	_ =	shalt  }
0x57: {  	_ =	shalt  }
0x58: {  	_ =	shalt  }
0x59: {  	_ =	shalt  }
0x5a: {  	_ =	shalt  }
0x5b: {  	_ =	shalt  }
0x5c: {  	_ =	shalt  }
0x5d: {  	_ =	shalt  }
0x5e: {  	_ =	shalt  }
0x5f: {  	_ =	shalt  }
0x60: {  	_ =	shalt  }
0x61: {  	_ =	shalt  }
0x62: {  	_ =	shalt  }
0x63: {  	_ =	shalt  }
0x64: {  	_ =	shalt  }
0x65: {  	_ =	shalt  }
0x66: {  	_ =	shalt  }
0x67: {  	_ =	shalt  }
0x68: {  	_ =	shalt  }
0x69: {  	_ =	shalt  }
0x6a: {  	_ =	shalt  }
0x6b: {  	_ =	shalt  }
0x6c: {  	_ =	shalt  }
0x6d: {  	_ =	shalt  }
0x6e: {  	_ =	shalt  }
0x6f: {  	_ =	shalt  }
0x70: {  	_ =	shalt  }
0x71: {  	_ =	shalt  }
0x72: {  	_ =	shalt  }
0x73: {  	_ =	shalt  }
0x74: {  	_ =	shalt  }
0x75: {  	_ =	shalt  }
0x76: {  	_ =	shalt  }
0x77: {  	_ =	shalt  }
0x78: {  	_ =	shalt  }
0x79: {  	_ =	shalt  }
0x7a: {  	_ =	shalt  }
0x7b: {  	_ =	shalt  }
0x7c: {  	_ =	shalt  }
0x7d: {  	_ =	shalt  }
0x7e: {  	_ =	shalt  }
0x7f: {  	_ =	shalt  }
0x80: {  	_ =	shalt  }
0x81: {  	_ =	shalt  }
0x82: {  	_ =	shalt  }
0x83: {  	_ =	shalt  }
0x84: {  	_ =	shalt  }
0x85: {  	_ =	shalt  }
0x86: {  	_ =	shalt  }
0x87: {  	_ =	shalt  }
.Lfunc_end0:
.L_simem_size_0:
called_computation.2_lowered:
.L_overlay_start_0:
0x88: {  	s2 =	sld [smem:$0x3FD9]  }
0x89: {  	s3 =	sld [smem:$0x3FFE];
	_ =	sdelay $0x1  }
0x8a: {  	s1 =	srdreg.scid  }
0x8b: {  	s0 =	sand.u32 $0x1, s1  }
0x8c: {  	s17 =	sshll.u32 s0, $0xA;
	s2 =	sadd.s32 s3, s2  }
0x8d: {  	s2 =	sadd.s32 s2, s17  }
0x8e: {  	[smem:$0x3FBB] =	sst s2  }
0x8f: {  	_ = 	snop  }
0x90: {  	s2 =	sld [smem:$0x3FD0];
	(tm) =	ssettm $0x1  }
0x91: {  	s18 =	sld [smem:$0x3FFB];
	_ =	sdelay $0x3  }
0x92: {  	_ =	strace s18  }
0x93: {  	s3 =	sld [smem:$0x3FFC];
	_ =	sdelay $0x3  }
0x94: {  	_ =	strace s3  }
0x95: {  	s3 =	sld [smem:$0x3FFD];
	_ =	sdelay $0x3  }
0x96: {  	_ =	strace s3  }
0x97: {  	_ =	strace $0x8FFFFFFF  }
0x98: {  	s19 =	sld [smem:$0x3FDB];
	_ =	sdelay $0x1  }
0x99: {  	s4 =	simm.s32 $_scs_section_size  }
0x9a: {  	s5 =	simm.s32 $_size__tile_overlayer_lowered;
	s6 =	simm.s32 $_tile_overlayer_lowered  }
0x9b: {  	s22 =	simm.s32 $0x1BFF;
	s21 =	sshll.u32 s6, $0x1;
	s3 =	sadd.s32 s4, s19  }
0x9c: {  	s7 =	simm.s32 $0x0;
	s20 =	sshll.u32 s5, $0x1;
	s5 =	sadd.s32 s21, s3  }
0x9d: {  	[timem:s7], [sflag:s22] =	dma.local [hbm:s5], s20  }
0x9e: {  	_ =	swait.ge [sflag:s22], s20  }
0x9f: {  	s4 =	ssub.s32 $0x0, s20;
	[sflag:s22] =	ssyncset.done $0x0  }
0xa0: {  	[sflag:s22] =	ssyncadd.s32 s4;
	_ =	sdelay $0x1  }
0xa1: {  	s23 =	simm.s32 $0x1B8B  }
0xa2: {  	_ =	swait.ge [sflag:s23], $0x1  }
0xa3: {  	[sflag:s23] =	ssyncset.done $0x0  }
0xa4: {  	s25 =	simm.s32 $0x1B8E;
	s24 =	sld [smem:$0x3FFE];
	[sflag:s23] =	ssyncadd.s32 $0xFFFFFFFF  }
0xa5: {  	s26 =	simm.s32 $execute0_lowered;
	[smem:$0x3FD2] =	sst s25  }
0xa6: {  	s5 =	sshll.u32 s26, $0x1;
	_ =	strace $0x80000049;
	[dreg:$0x1] =	wrdreg $0xFFFFFFFF  }
0xa7: {  	s28 =	simm.s32 $_size_execute0_lowered;
	s3 =	sadd.s32 s3, s5;
	[dreg:$0x0] =	wrdreg $0x0  }
0xa8: {  	s5 =	sshll.u32 s28, $0x1;
	[dreg:$0x2] =	wrdreg s3  }
0xa9: {  	[dreg:$0x3] =	wrdreg s5  }
0xaa: {  	[dreg:$0x4] =	wrdreg $0xC0  }
0xab: {  	_ =	task [dreg:s7], $0x5FFFF  }
0xac: {  	[dreg:$0x1] =	wrdreg $0xFFFFFFFF  }
0xad: {  	[dreg:$0x0] =	wrdreg $0x60  }
0xae: {  	[dreg:$0x2] =	wrdreg s24  }
0xaf: {  	[dreg:$0x3] =	wrdreg s2  }
0xb0: {  	[dreg:$0x4] =	wrdreg $0x9480  }
0xb1: {  	[dreg:$0x5] =	wrdreg $0xA  }
0xb2: {  	_ =	task.clear_ibuf [dreg:s7], $0x6FFFF;
	_ =	strace $0x90000049  }
0xb3: {  	s29 =	simm.s32 $0xA;
	_ =	strace $0x8000004B  }
0xb4: {  	_ =	swait.ge [sflag:s29], $0x1  }
0xb5: {  	[sflag:s29] =	ssyncadd.s32 $0xFFFFFFFF  }
0xb6: {  	_ =	strace $0x9000004B  }
0xb7: {  	_ =	sfence  }
0xb8: {  	s30 =	sld [smem:$0x0];
	_ =	sdelay $0x2  }
0xb9: {  	s31 =	sshll.u32 s1, $0xD;
	s1 =	sshrl.u32 s1, $0x2  }
0xba: {  	s3 =	sand.u32 $0x4000, s31;
	s1 =	sadd.s32 s1, s30  }
0xbb: {  	s0 =	sor.u32 s3, s0;
	s1 =	sshll.u32 s1, $0x11  }
0xbc: {  	s0 =	sor.u32 s1, s0  }
0xbd: {  	s0 =	sadd.s32 $0x8F2B, s0  }
0xbe: {  	[sflag:s0] =	ssyncadd.remote.s32 $0x1  }
0xbf: {  	_ =	sfence.sel $0xFFFF  }
0xc0: {  	[dreg:$0x0] =	wrdreg $0xFFFFFFFF;
	(pc) =	sbr.abs _section_cstart, $3  }
0xc1: {  	[dreg:$0x1] =	wrdreg $0xFFFFFFFF  }
0xc2: {  	_ =	task.clear_ibuf [dreg:s7], $0x2FFFF;
	_ =	strace $0x9FFFFFFF  }
0xc3: {  	(tm) =	ssettm $0x7FFFFFFF  }
tec
execute0_lowered:
.L_overlay_start_1:
0x0: {  	(tag) =	ssettag $0x1  }
0x1: {  	s5 =	rddreg [dreg:$0x0]  }
0x2: {  	s12 =	rddreg [dreg:$0x1]  }
0x3: {  	s2 =	rddreg [dreg:$0x2]  }
0x4: {  	s3 =	simm.s32 $0x0;
	s0 =	stileid.u32;
	s6 =	srdreg.scid  }
0x5: {  	s20 =	simm.s32 $0x500;
	s21 =	simm.s32 $0x1;
	s22 =	simm.s32 $0x2  }
0x6: {  	s23 =	simm.s32 $0x900;
	s24 =	simm.s32 $0x908;
	s25 =	simm.s32 $0x8  }
0x7: {  	[smem:$0x7FF] =	sst s3;
	s9 =	smul.u32 $0x1400, s0;
	s14 =	sadd.s32 $0xD200, s5  }
0x8: {  	s4 =	sadd.s32 $0x3200, s5;
	s8 =	sand.u32 $0x1, s6;
	s10 =	sshll.u32 s0, $0x1  }
0x9: {  	s29 =	sshll.u32 s0, $0x6;
	s15 =	smul.u32 $0x2710, s0;
	_ =	strace $0x8000004A  }
0xa: {  	s7 =	ssub.s32 $0x2, s8;
	s10 =	sor.u32 s8, s10;
	s11 =	smul.u32 $0x14000, s8  }
0xb: {  	s6 =	sor.u32 $0x1C03, s29;
	s18 =	smul.u32 $0x1388, s8;
	s26 =	sshrl.u32 s9, $0x3  }
0xc: {  	s28 =	sshrl.u32 s7, $0x1;
	s10 =	smul.u32 $0x1388, s10;
	s16 =	sadd.s32 s9, s2  }
0xd: {  	s5 =	sadd.s32 s26, s5;
	s13 =	ssub.s32 s7, s28;
	s11 =	sadd.s32 s9, s11  }
0xe: {  	s16 =	sshrl.u32 s16, $0x3;
	s26 =	simm.s32 $0x0;
	s5 =	sadd.s32 $0x34400, s5  }
0xf: {  	s30 =	sshrl.u32 s10, $0x3;
	s17 =	sadd.s32 $0x1380, s10;
	s8 =	sadd.s32 s14, s10  }
0x10: {  	s19 =	sshrl.u32 s11, $0x3;
	s10 =	sadd.s32 s18, s15;
	s13 =	smax.u32 s13, $0x1  }
0x11: {  	s18 =	simm.s32 $0x80;
	s7 =	sadd.s32 s4, s30;
	s31 =	sshrl.u32 s17, $0x3  }
0x12: {  	s11 =	sadd.s32 s14, s17;
	s12 =	sadd.s32 s12, s19;
	s15 =	sadd.s32 $0x80, s10  }
0x13: {  	s14 =	sadd.s32 s14, s10;
	s17 =	simm.s32 $0x3;
	s15 =	sshrl.u32 s15, $0x3  }
0x14: {  	s19 =	simm.s32 $0x480;
	s9 =	sadd.s32 s4, s31;
	s15 =	sadd.s32 s15, s4  }
.LBB2_1:
0x15: {  	[spmem:s16], [sflag:s6] =	dma.local [hbm:s5], $0x280  }
0x16: {  	_ =	swait.ge [sflag:s17], $0x280  }
0x17: {  	[sflag:s17] =	ssyncset.done $0x0  }
0x18: {  	[sflag:s17] =	ssyncadd.s32 $0xFFFFFD80  }
0x19: {  	[bflag:$0x0] =	sbarrier.arrive $0xFFFF  }
0x1a: {  	[tilespmem:s3], [sflag:$0x1] =	stream.linear.gather [hbm4b:s7+s3], $0x80, $0x38;
	[tilespmem:$0x1D48] =	vst v63  }
0x1b: {  	_ = 	snop  }
0x1c: {  	[tilespmem:s18], [sflag:$0x1] =	stream.linear.gather [hbm4b:s8+s3], $0x400, $0x38;
	[tilespmem:$0x1D48] =	vst v63  }
0x1d: {  	s28 =	sadd.s32 $0xFFFFED00, s14  }
0x1e: {  	[tilespmem:s19], [sflag:$0x2] =	stream.linear.gather [hbm4b:s15+s3], $0x80, $0x38;
	[tilespmem:$0x1D48] =	vst v63  }
0x1f: {  	s29 =	sadd.s32 $0x1380, s28  }
0x20: {  	[tilespmem:s20], [sflag:$0x2] =	stream.linear.gather [hbm4b:s29+s3], $0x400, $0x38;
	[tilespmem:$0x1D48] =	vst v63  }
0x21: {  	_ =	swait.ge [sflag:s21], $0x80  }
0x22: {  	[sflag:s21] =	ssyncset.done $0x0  }
0x23: {  	[sflag:s21] =	ssyncadd.s32 $0xFFFFFF80  }
0x24: {  	_ =	swait.ge [sflag:s21], $0x400  }
0x25: {  	[sflag:s21] =	ssyncset.done $0x0  }
0x26: {  	s29 =	sadd.s32 $0xFFFFED00, s10;
	[sflag:s21] =	ssyncadd.s32 $0xFFFFFC00  }
0x27: {  	[spmem:s2] =	stream.indirect.scatter.add.f32 [tilespmem:s18], [sflag:$0x3], $0x8, s3, s18, $0xb8;
	[tilespmem:$0x1D48] =	vst v63  }
0x28: {  	s29 =	sadd.s32 $0x1400, s29;
	_ =	swait.ge [sflag:s17], $0x400  }
0x29: {  	s29 =	sshrl.u32 s29, $0x3;
	[sflag:s17] =	ssyncset.done $0x0  }
0x2a: {  	s29 =	sadd.s32 s4, s29;
	[sflag:s17] =	ssyncadd.s32 $0xFFFFFC00  }
0x2b: {  	[tilespmem:s3], [sflag:$0x1] =	stream.linear.gather [hbm4b:s29+s3], $0x80, $0x38;
	[tilespmem:$0x1D48] =	vst v63  }
0x2c: {  	s28 =	sadd.s32 $0x1400, s28  }
0x2d: {  	[tilespmem:s18], [sflag:$0x1] =	stream.linear.gather [hbm4b:s28+s3], $0x400, $0x38;
	[tilespmem:$0x1D48] =	vst v63  }
0x2e: {  	_ =	swait.ge [sflag:s22], $0x80  }
0x2f: {  	[sflag:s22] =	ssyncset.done $0x0  }
0x30: {  	[sflag:s22] =	ssyncadd.s32 $0xFFFFFF80  }
0x31: {  	_ =	swait.ge [sflag:s22], $0x400  }
0x32: {  	[sflag:s22] =	ssyncset.done $0x0  }
0x33: {  	[sflag:s22] =	ssyncadd.s32 $0xFFFFFC00  }
0x34: {  	[spmem:s2] =	stream.indirect.scatter.add.f32 [tilespmem:s20], [sflag:$0x3], $0x8, s19, s18, $0xb8;
	[tilespmem:$0x1D48] =	vst v63  }
0x35: {  	_ =	swait.ge [sflag:s17], $0x400  }
0x36: {  	s29 =	simm.s32 $0xFFFFEE00;
	s28 =	sadd.s32 $0x20, s15;
	[sflag:s17] =	ssyncset.done $0x0  }
.LBB2_2:
0x37: {  	s30 =	sadd.s32 s29, s14  }
0x38: {  	[sflag:s17] =	ssyncadd.s32 $0xFFFFFC00;
	s31 =	smov.u32 s29;
	s0 =	sadd.s32 $0x100, s29  }
0x39: {  	[tilespmem:s19], [sflag:$0x2] =	stream.linear.gather [hbm4b:s28+s3], $0x80, $0x38;
	[tilespmem:$0x1D48] =	vst v63  }
0x3a: {  	p0 =	sne.s32 s29, $0xFFFFFF00;
	s1 =	sadd.s32 $0x1380, s30  }
0x3b: {  	[tilespmem:s20], [sflag:$0x2] =	stream.linear.gather [hbm4b:s1+s3], $0x400, $0x38;
	[tilespmem:$0x1D48] =	vst v63  }
0x3c: {  	_ =	swait.ge [sflag:s21], $0x80  }
0x3d: {  	[sflag:s21] =	ssyncset.done $0x0  }
0x3e: {  	[sflag:s21] =	ssyncadd.s32 $0xFFFFFF80  }
0x3f: {  	_ =	swait.ge [sflag:s21], $0x400  }
0x40: {  	[sflag:s21] =	ssyncset.done $0x0  }
0x41: {  	s1 =	sadd.s32 s31, s10;
	[sflag:s21] =	ssyncadd.s32 $0xFFFFFC00  }
0x42: {  	[spmem:s2] =	stream.indirect.scatter.add.f32 [tilespmem:s18], [sflag:$0x3], $0x8, s3, s18, $0xb8;
	[tilespmem:$0x1D48] =	vst v63  }
0x43: {  	s1 =	sadd.s32 $0x1400, s1;
	_ =	swait.ge [sflag:s17], $0x400  }
0x44: {  	s1 =	sshrl.u32 s1, $0x3;
	[sflag:s17] =	ssyncset.done $0x0  }
0x45: {  	s1 =	sadd.s32 s4, s1;
	[sflag:s17] =	ssyncadd.s32 $0xFFFFFC00  }
0x46: {  	[tilespmem:s3], [sflag:$0x1] =	stream.linear.gather [hbm4b:s1+s3], $0x80, $0x38;
	[tilespmem:$0x1D48] =	vst v63  }
0x47: {  	s1 =	sadd.s32 $0x1400, s30  }
0x48: {  	[tilespmem:s18], [sflag:$0x1] =	stream.linear.gather [hbm4b:s1+s3], $0x400, $0x38;
	[tilespmem:$0x1D48] =	vst v63  }
0x49: {  	_ =	swait.ge [sflag:s22], $0x80  }
0x4a: {  	[sflag:s22] =	ssyncset.done $0x0  }
0x4b: {  	[sflag:s22] =	ssyncadd.s32 $0xFFFFFF80  }
0x4c: {  	_ =	swait.ge [sflag:s22], $0x400  }
.Ltmp0:
0x4d: {  	[sflag:s22] =	ssyncset.done $0x0;
	(pc) =	sbr.rel @p0 .LBB2_2-.Ltmp0, $4  }
0x4e: {  	[sflag:s22] =	ssyncadd.s32 $0xFFFFFC00  }
0x4f: {  	[spmem:s2] =	stream.indirect.scatter.add.f32 [tilespmem:s20], [sflag:$0x3], $0x8, s19, s18, $0xb8;
	[tilespmem:$0x1D48] =	vst v63  }
0x50: {  	_ =	swait.ge [sflag:s17], $0x400  }
0x51: {  	s28 =	sadd.s32 $0x20, s28;
	s29 =	smov.u32 s0;
	[sflag:s17] =	ssyncset.done $0x0  }
0x52: {  	[sflag:s17] =	ssyncadd.s32 $0xFFFFFC00  }
0x53: {  	_ =	swait.ge [sflag:s21], $0x80  }
0x54: {  	[sflag:s21] =	ssyncset.done $0x0  }
0x55: {  	[sflag:s21] =	ssyncadd.s32 $0xFFFFFF80  }
0x56: {  	_ =	swait.ge [sflag:s21], $0x400  }
0x57: {  	[sflag:s21] =	ssyncset.done $0x0  }
0x58: {  	[sflag:s21] =	ssyncadd.s32 $0xFFFFFC00  }
0x59: {  	[spmem:s2] =	stream.indirect.scatter.add.f32 [tilespmem:s18], [sflag:$0x3], $0x8, s3, s18, $0xb8;
	[tilespmem:$0x1D48] =	vst v63  }
0x5a: {  	_ =	swait.ge [sflag:s17], $0x400  }
0x5b: {  	[sflag:s17] =	ssyncset.done $0x0  }
0x5c: {  	[sflag:s17] =	ssyncadd.s32 $0xFFFFFC00  }
0x5d: {  	[tilespmem:s23], [sflag:$0x3] =	stream.linear.gather [hbm4b:s9+s3], $0x8, $0x38;
	[tilespmem:$0x1D48] =	vst v63  }
0x5e: {  	_ =	swait.ge [sflag:s17], $0x8  }
0x5f: {  	[sflag:s17] =	ssyncset.done $0x0  }
0x60: {  	[sflag:s17] =	ssyncadd.s32 $0xFFFFFFF8  }
0x61: {  	[tilespmem:s24], [sflag:$0x3] =	stream.linear.gather [hbm4b:s11+s3], $0x40, $0x38;
	[tilespmem:$0x1D48] =	vst v63  }
0x62: {  	_ =	swait.ge [sflag:s17], $0x40  }
0x63: {  	[sflag:s17] =	ssyncset.done $0x0  }
0x64: {  	[sflag:s17] =	ssyncadd.s32 $0xFFFFFFC0  }
0x65: {  	[spmem:s2] =	stream.indirect.scatter.add.f32 [tilespmem:s24], [sflag:$0x3], $0x8, s23, s25, $0xb8;
	[tilespmem:$0x1D48] =	vst v63  }
0x66: {  	_ =	swait.ge [sflag:s17], $0x40  }
0x67: {  	s26 =	sadd.s32 $0x1, s26;
	[sflag:s17] =	ssyncset.done $0x0  }
0x68: {  	p0 =	sne.s32 s26, s13;
	[sflag:s17] =	ssyncadd.s32 $0xFFFFFFC0  }
.Ltmp1:
0x69: {  	[bflag:$0x0] =	sbarrier.arrive $0xFFFF;
	(pc) =	sbr.rel @p0 .LBB2_1-.Ltmp1, $4  }
0x6a: {  	[hbm:s12], [sflag:s6] =	dma.local [spmem:s16], $0x280  }
0x6b: {  	_ =	swait.ge [sflag:s17], $0x280  }
0x6c: {  	[sflag:s17] =	ssyncset.done $0x0  }
0x6d: {  	[sflag:s17] =	ssyncadd.s32 $0xFFFFFD80  }
0x6e: {  	_ =	sfence.sel $0x180000  }
0x6f: {  	[bflag:$0x0] =	sbarrier.arrive $0xFFFF  }
0x70: {  	_ =	strace $0x9000004A  }
0x71: {  	s0 =	stileid.u32;
	[bflag:$0x2] =	sbarrier.arrive $0xFFFF  }
0x72: {  	p0 =	sne.s32 s0, $0x0;
	s0 =	rddreg [dreg:$0x3]  }
0x73: {  	s0 =	sadd.s32 @!p0 $0x100000, s0  }
0x74: {  	[sflag:s0] =	ssyncadd.tile.s32 @!p0 $0x1;
	_ =	shalt  }
.Lfunc_end2:
_tile_overlayer_lowered:
.L_overlay_start_2:
0x75: {  	(tag) =	ssettag $0x2  }
0x76: {  	s0 =	rddreg [dreg:$0x0];
	s2 =	stileid.u32  }
0x77: {  	s1 =	rddreg [dreg:$0x1];
	p0 =	sne.s32 s2, $0x0  }
0x78: {  	s3 =	rddreg [dreg:$0x2];
	[bflag:$0x3] =	sbarrier.arrive $0xFFFF;
	s2 =	simm.s32 @!p0 $0x1C03  }
0x79: {  	[timem:s3], [sflag:s2] =	dma.local @!p0 [hbm:s0], s1  }
0x7a: {  	s0 =	simm.s32 @!p0 $0x3  }
0x7b: {  	_ =	swait.ge @!p0 [sflag:s0], s1  }
0x7c: {  	s1 =	ssub.s32 @!p0 $0x0, s1;
	[sflag:s0] =	ssyncset.done @!p0 $0x0  }
0x7d: {  	[sflag:s0] =	ssyncadd.s32 @!p0 s1  }
0x7e: {  	[bflag:$0x3] =	sbarrier.arrive $0xFFFF  }
0x7f: {  	_ =	shalt  }

// kernel: kernel.18.cloned.1.call-start
scs
__scs_entry_jumppad:
0x0: {  	(pc) =	sbr.rel $0x88, $3  }
0x1: {  	(tag) =	ssettag $0x0;
	lr =	simm.s32 $0x1  }
0x2: {  	[smem:$0x3F94] =	sst lr;
	_ =	strace $0xD0000000  }
0x3: {  	_ = 	snop  }
0x4: {  	_ = 	snop  }
0x5: {  	_ = 	snop  }
0x6: {  	_ = 	snop  }
0x7: {  	_ = 	snop  }
__scs_overlays_trampoline_lowered:
0x8: {  	[smem:$0x3FA3] =	sst s0  }
0x9: {  	[smem:$0x3FA4] =	sst s1  }
0xa: {  	[smem:$0x3FA5] =	sst s2  }
0xb: {  	[smem:$0x3FA6] =	sst s3  }
0xc: {  	[smem:$0x3FA7] =	sst s4  }
0xd: {  	[smem:$0x3FA8] =	sst s5  }
0xe: {  	[smem:$0x3FA9] =	sst s6  }
0xf: {  	[smem:$0x3FAA] =	sst s7  }
0x10: {  	[smem:$0x3FAB] =	sst s8  }
0x11: {  	[smem:$0x3FAC] =	sst s9;
	s0 =	simm.s32 @!p0 $0x0  }
0x12: {  	s1 =	sld [smem:$0x3F92];
	s0 =	simm.s32 @p0 $0x1  }
0x13: {  	[smem:$0x3FAD] =	sst s0;
	s0 =	simm.s32 @!p1 $0x0  }
0x14: {  	s2 =	sld [smem:$0x3F91];
	s0 =	simm.s32 @p1 $0x1  }
0x15: {  	[smem:$0x3FAE] =	sst s0;
	s0 =	simm.s32 @!p2 $0x0  }
0x16: {  	s3 =	sld [smem:$0x3FDB];
	s0 =	simm.s32 @p2 $0x1  }
0x17: {  	s4 =	simm.s32 $0x1BF5;
	[smem:$0x3FB0] =	sst s0  }
0x18: {  	s0 =	sld [smem:$0x3F93];
	_ =	swait.ge [sflag:s4], $0x0  }
0x19: {  	s7 =	sld [smem:$0x3F94]  }
0x1a: {  	s8 =	sadd.s32 $0xFFFFE003, lr  }
0x1b: {  	s9 =	sadd.s32 $0xFFFFFEF7, lr;
	s5 =	simm.s32 $0xFFFFFFFF;
	p2 =	slt.u32 s8, $0xFFFFF086  }
0x1c: {  	p1 =	slt.u32 s9, $0xF7A;
	s5 =	simm.s32 @!p2 $0x0  }
0x1d: {  	s5 =	simm.s32 @p1 $0x1;
	p0 =	seq.s32 s7, s2  }
0x1e: {  	s7 =	smul.u32 @!p0 $0xF7A, s2;
	p2 =	seq.s32 @!p0 s5, $0x0  }
0x1f: {  	s9 =	smul.u32 $0xF7A, s1;
	s8 =	simm.s32 @!p0 $0x1BF5;
	p2 =	por !p2, p0  }
0x20: {  	[sflag:s8] =	ssyncset.s32 @!p0 $0xFFFFF086;
	s6 =	sadd.s32 @!p0 s3, s7;
	s7 =	simm.s32 @!p0 $0x108  }
0x21: {  	s3 =	sadd.s32 s3, s9;
	s6 =	sadd.s32 @!p0 $0x88, s6;
	s7 =	simm.s32 @p2 $0x1082  }
0x22: {  	[simem:s7], [sflag:s8] =	dma.local @!p0 [hbm:s6], $0xF7A  }
0x23: {  	s9 =	sor.u32 $0xD0000000, s2;
	s6 =	simm.s32 $0x108;
	_ =	swait.ge @!p0 [sflag:s8], $0x0  }
0x24: {  	s3 =	sadd.s32 $0x88, s3;
	s6 =	simm.s32 @!p1 $0x1082;
	[sflag:s4] =	ssyncset.s32 $0xFFFFF086  }
0x25: {  	[simem:s6], [sflag:s4] =	dma.local [hbm:s3], $0xF7A  }
0x26: {  	[smem:$0x3F94] =	sst s1;
	(tag) =	ssettag s2;
	_ =	strace s9  }
0x27: {  	s1 =	sld [smem:$0x3FA4]  }
0x28: {  	s2 =	sld [smem:$0x3FA5]  }
0x29: {  	s4 =	sld [smem:$0x3FA7]  }
0x2a: {  	p0 =	seq.s32 s5, $0x0;
	s5 =	sld [smem:$0x3FA8]  }
0x2b: {  	s6 =	sld [smem:$0x3FA9]  }
0x2c: {  	s7 =	sld [smem:$0x3FAA]  }
0x2d: {  	s3 =	simm.s32 $0x108;
	s8 =	sld [smem:$0x3FAB]  }
0x2e: {  	s3 =	simm.s32 @!p0 $0x1082;
	s9 =	sld [smem:$0x3FAC]  }
0x2f: {  	lr =	sadd.s32 s0, s3;
	s0 =	sld [smem:$0x3FA3]  }
0x30: {  	s3 =	sld [smem:$0x3FA6]  }
0x31: {  	[smem:$0x3FAF] =	sst s10  }
0x32: {  	s10 =	sld [smem:$0x3FAD];
	_ =	sdelay $0x3  }
0x33: {  	p0 =	seq.s32 s10, $0x1;
	s10 =	sld [smem:$0x3FAF];
	_ =	sdelay $0x3  }
0x34: {  	[smem:$0x3FAF] =	sst s10  }
0x35: {  	s10 =	sld [smem:$0x3FAE];
	_ =	sdelay $0x3  }
0x36: {  	p1 =	seq.s32 s10, $0x1;
	s10 =	sld [smem:$0x3FAF];
	_ =	sdelay $0x3  }
0x37: {  	[smem:$0x3FAF] =	sst s10  }
0x38: {  	s10 =	sld [smem:$0x3FB0]  }
0x39: {  	_ = 	snop;
	(pc) =	sbr.ind lr, $3  }
0x3a: {  	_ = 	snop  }
0x3b: {  	_ = 	snop  }
0x3c: {  	p2 =	seq.s32 s10, $0x1;
	s10 =	sld [smem:$0x3FAF]  }
0x3d: {  	_ =	shalt  }
0x3e: {  	_ =	shalt  }
0x3f: {  	_ =	shalt  }
0x40: {  	_ =	shalt  }
0x41: {  	_ =	shalt  }
0x42: {  	_ =	shalt  }
0x43: {  	_ =	shalt  }
0x44: {  	_ =	shalt  }
0x45: {  	_ =	shalt  }
0x46: {  	_ =	shalt  }
0x47: {  	_ =	shalt  }
0x48: {  	_ =	shalt  }
0x49: {  	_ =	shalt  }
0x4a: {  	_ =	shalt  }
0x4b: {  	_ =	shalt  }
0x4c: {  	_ =	shalt  }
0x4d: {  	_ =	shalt  }
0x4e: {  	_ =	shalt  }
0x4f: {  	_ =	shalt  }
0x50: {  	_ =	shalt  }
0x51: {  	_ =	shalt  }
0x52: {  	_ =	shalt  }
0x53: {  	_ =	shalt  }
0x54: {  	_ =	shalt  }
0x55: {  	_ =	shalt  }
0x56: {  	_ =	shalt  }
0x57: {  	_ =	shalt  }
0x58: {  	_ =	shalt  }
0x59: {  	_ =	shalt  }
0x5a: {  	_ =	shalt  }
0x5b: {  	_ =	shalt  }
0x5c: {  	_ =	shalt  }
0x5d: {  	_ =	shalt  }
0x5e: {  	_ =	shalt  }
0x5f: {  	_ =	shalt  }
0x60: {  	_ =	shalt  }
0x61: {  	_ =	shalt  }
0x62: {  	_ =	shalt  }
0x63: {  	_ =	shalt  }
0x64: {  	_ =	shalt  }
0x65: {  	_ =	shalt  }
0x66: {  	_ =	shalt  }
0x67: {  	_ =	shalt  }
0x68: {  	_ =	shalt  }
0x69: {  	_ =	shalt  }
0x6a: {  	_ =	shalt  }
0x6b: {  	_ =	shalt  }
0x6c: {  	_ =	shalt  }
0x6d: {  	_ =	shalt  }
0x6e: {  	_ =	shalt  }
0x6f: {  	_ =	shalt  }
0x70: {  	_ =	shalt  }
0x71: {  	_ =	shalt  }
0x72: {  	_ =	shalt  }
0x73: {  	_ =	shalt  }
0x74: {  	_ =	shalt  }
0x75: {  	_ =	shalt  }
0x76: {  	_ =	shalt  }
0x77: {  	_ =	shalt  }
0x78: {  	_ =	shalt  }
0x79: {  	_ =	shalt  }
0x7a: {  	_ =	shalt  }
0x7b: {  	_ =	shalt  }
0x7c: {  	_ =	shalt  }
0x7d: {  	_ =	shalt  }
0x7e: {  	_ =	shalt  }
0x7f: {  	_ =	shalt  }
0x80: {  	_ =	shalt  }
0x81: {  	_ =	shalt  }
0x82: {  	_ =	shalt  }
0x83: {  	_ =	shalt  }
0x84: {  	_ =	shalt  }
0x85: {  	_ =	shalt  }
0x86: {  	_ =	shalt  }
0x87: {  	_ =	shalt  }
.Lfunc_end0:
.L_simem_size_0:
called_computation.3_lowered:
.L_overlay_start_0:
0x88: {  	s2 =	sld [smem:$0x3FD9]  }
0x89: {  	s3 =	sld [smem:$0x3FFE];
	_ =	sdelay $0x1  }
0x8a: {  	s1 =	srdreg.scid  }
0x8b: {  	s0 =	sand.u32 $0x1, s1  }
0x8c: {  	s17 =	sshll.u32 s0, $0xA;
	s2 =	sadd.s32 s3, s2  }
0x8d: {  	s2 =	sadd.s32 s2, s17  }
0x8e: {  	[smem:$0x3FBB] =	sst s2  }
0x8f: {  	_ = 	snop  }
0x90: {  	s2 =	sld [smem:$0x3FD0];
	(tm) =	ssettm $0x1  }
0x91: {  	s18 =	sld [smem:$0x3FFB];
	_ =	sdelay $0x3  }
0x92: {  	_ =	strace s18  }
0x93: {  	s3 =	sld [smem:$0x3FFC];
	_ =	sdelay $0x3  }
0x94: {  	_ =	strace s3  }
0x95: {  	s3 =	sld [smem:$0x3FFD];
	_ =	sdelay $0x3  }
0x96: {  	_ =	strace s3  }
0x97: {  	_ =	strace $0x8FFFFFFF  }
0x98: {  	s19 =	sld [smem:$0x3FDB];
	_ =	sdelay $0x1  }
0x99: {  	s4 =	simm.s32 $_scs_section_size  }
0x9a: {  	s5 =	simm.s32 $_size__tile_overlayer_lowered;
	s6 =	simm.s32 $_tile_overlayer_lowered  }
0x9b: {  	s22 =	simm.s32 $0x1BFF;
	s21 =	sshll.u32 s6, $0x1;
	s3 =	sadd.s32 s4, s19  }
0x9c: {  	s7 =	simm.s32 $0x0;
	s20 =	sshll.u32 s5, $0x1;
	s5 =	sadd.s32 s21, s3  }
0x9d: {  	[timem:s7], [sflag:s22] =	dma.local [hbm:s5], s20  }
0x9e: {  	_ =	swait.ge [sflag:s22], s20  }
0x9f: {  	s4 =	ssub.s32 $0x0, s20;
	[sflag:s22] =	ssyncset.done $0x0  }
0xa0: {  	[sflag:s22] =	ssyncadd.s32 s4;
	_ =	sdelay $0x1  }
0xa1: {  	s23 =	simm.s32 $0x1B8B  }
0xa2: {  	_ =	swait.ge [sflag:s23], $0x1  }
0xa3: {  	[sflag:s23] =	ssyncset.done $0x0  }
0xa4: {  	s25 =	simm.s32 $0x1B8E;
	s24 =	sld [smem:$0x3FFE];
	[sflag:s23] =	ssyncadd.s32 $0xFFFFFFFF  }
0xa5: {  	s26 =	simm.s32 $execute0_lowered;
	[smem:$0x3FD2] =	sst s25  }
0xa6: {  	s5 =	sshll.u32 s26, $0x1;
	_ =	strace $0x8000004F;
	[dreg:$0x1] =	wrdreg $0xFFFFFFFF  }
0xa7: {  	s28 =	simm.s32 $_size_execute0_lowered;
	s3 =	sadd.s32 s3, s5;
	[dreg:$0x0] =	wrdreg $0x0  }
0xa8: {  	s5 =	sshll.u32 s28, $0x1;
	[dreg:$0x2] =	wrdreg s3  }
0xa9: {  	[dreg:$0x3] =	wrdreg s5  }
0xaa: {  	[dreg:$0x4] =	wrdreg $0xC0  }
0xab: {  	_ =	task [dreg:s7], $0x5FFFF  }
0xac: {  	[dreg:$0x1] =	wrdreg $0xFFFFFFFF  }
0xad: {  	[dreg:$0x0] =	wrdreg $0x60  }
0xae: {  	[dreg:$0x2] =	wrdreg s24  }
0xaf: {  	[dreg:$0x3] =	wrdreg s2  }
0xb0: {  	[dreg:$0x4] =	wrdreg $0x9  }
0xb1: {  	_ =	task.clear_ibuf [dreg:s7], $0x5FFFF;
	_ =	strace $0x9000004F  }
0xb2: {  	s29 =	simm.s32 $0x9;
	_ =	strace $0x80000051  }
0xb3: {  	_ =	swait.ge [sflag:s29], $0x1  }
0xb4: {  	[sflag:s29] =	ssyncadd.s32 $0xFFFFFFFF  }
0xb5: {  	_ =	strace $0x90000051  }
0xb6: {  	_ =	sfence  }
0xb7: {  	s30 =	sld [smem:$0x0];
	_ =	sdelay $0x2  }
0xb8: {  	s31 =	sshll.u32 s1, $0xD;
	s1 =	sshrl.u32 s1, $0x2  }
0xb9: {  	s3 =	sand.u32 $0x4000, s31;
	s1 =	sadd.s32 s1, s30  }
0xba: {  	s0 =	sor.u32 s3, s0;
	s1 =	sshll.u32 s1, $0x11  }
0xbb: {  	s0 =	sor.u32 s1, s0  }
0xbc: {  	s0 =	sadd.s32 $0x8F2B, s0  }
0xbd: {  	[sflag:s0] =	ssyncadd.remote.s32 $0x1  }
0xbe: {  	_ =	sfence.sel $0xFFFF  }
0xbf: {  	[dreg:$0x0] =	wrdreg $0xFFFFFFFF;
	(pc) =	sbr.abs _section_cstart, $3  }
0xc0: {  	[dreg:$0x1] =	wrdreg $0xFFFFFFFF  }
0xc1: {  	_ =	task.clear_ibuf [dreg:s7], $0x2FFFF;
	_ =	strace $0x9FFFFFFF  }
0xc2: {  	(tm) =	ssettm $0x7FFFFFFF  }
0xc3: {  	_ =	shalt  }
tec
execute0_lowered:
.L_overlay_start_1:
0x0: {  	(tag) =	ssettag $0x1  }
0x1: {  	s0 =	srdreg.scid;
	s5 =	rddreg [dreg:$0x0]  }
0x2: {  	s10 =	stileid.u32;
	s2 =	rddreg [dreg:$0x1];
	s3 =	simm.s32 $0x0  }
0x3: {  	s17 =	simm.s32 $0x1900;
	s18 =	simm.s32 $0x2580;
	s19 =	simm.s32 $0x2D80  }
0x4: {  	s20 =	simm.s32 $0x3580;
	s21 =	simm.s32 $0x80;
	s22 =	simm.s32 $0x3D80  }
0x5: {  	s23 =	simm.s32 $0x4580;
	s28 =	simm.s32 $0x0;
	s24 =	smul.u32 $0x19000, s10  }
0x6: {  	s0 =	sand.u32 $0x1, s0;
	s1 =	sshll.u32 s10, $0x1;
	s15 =	smul.u32 $0x1900, s10  }
0x7: {  	[smem:$0x7FF] =	sst s3;
	s12 =	sadd.s32 $0x3200, s5;
	s9 =	smul.u32 $0xC800, s0  }
0x8: {  	s1 =	sor.u32 s0, s1;
	s6 =	ssub.s32 $0x2, s0;
	s0 =	smul.u32 $0xC80, s0  }
0x9: {  	s13 =	sadd.s32 $0x40200, s5;
	s14 =	sadd.s32 $0x72200, s5;
	s4 =	smul.u32 $0xC80, s1  }
0xa: {  	_ =	strace $0x80000050;
	s8 =	sshrl.u32 s6, $0x1;
	s1 =	smul.u32 $0xC800, s1  }
0xb: {  	s11 =	ssub.s32 s6, s8;
	s26 =	sadd.s32 s9, s24;
	s0 =	sadd.s32 s0, s15  }
0xc: {  	s15 =	simm.s32 $0x3;
	s24 =	simm.s32 $0x4D80;
	s4 =	sshrl.u32 s4, $0x3  }
0xd: {  	s1 =	sshrl.u32 s1, $0x3;
	s16 =	sshrl.u32 s26, $0x3;
	s0 =	sshll.u32 s0, $0x1  }
0xe: {  	s11 =	smax.u32 s11, $0x1;
	s26 =	simm.s32 $0x2;
	s7 =	sadd.s32 s4, s5  }
0xf: {  	s4 =	sadd.s32 $0x2B1400, s5;
	s1 =	sadd.s32 $0x1800, s1;
	s29 =	sadd.s32 s16, s14  }
0x10: {  	s30 =	sadd.s32 s16, s13;
	s31 =	sadd.s32 s16, s12;
	s0 =	sadd.s32 $0x100, s0  }
0x11: {  	s16 =	simm.s32 $0xC80;
	s25 =	sadd.s32 $0x39E00, s7;
	s6 =	sadd.s32 $0x3D000, s7  }
0x12: {  	s7 =	sadd.s32 $0x36C00, s7;
	s8 =	sadd.s32 s12, s1;
	[dreg:$0x3] =	wrdreg s29  }
0x13: {  	s9 =	sadd.s32 s13, s1;
	s10 =	sadd.s32 s14, s1;
	[dreg:$0x4] =	wrdreg s30  }
0x14: {  	[dreg:$0x5] =	wrdreg s31;
	s12 =	sadd.s32 s0, s12;
	s13 =	sadd.s32 s0, s13  }
0x15: {  	s14 =	sadd.s32 s0, s14;
	[dreg:$0x6] =	wrdreg s25;
	s25 =	simm.s32 $0x1  }
.LBB2_1:
0x16: {  	s0 =	rddreg [dreg:$0x6]  }
0x17: {  	[tilespmem:s3], [sflag:$0x3] =	stream.linear.gather [hbm4b:s0+s3], $0xC80, $0x38;
	[tilespmem:$0x5580] =	vst v63  }
0x18: {  	_ =	swait.ge [sflag:s15], $0xC80  }
0x19: {  	[sflag:s15] =	ssyncset.done $0x0  }
0x1a: {  	[sflag:s15] =	ssyncadd.s32 $0xFFFFF380  }
0x1b: {  	[tilespmem:s16], [sflag:$0x3] =	stream.linear.gather [hbm4b:s6+s3], $0xC80, $0x38;
	[tilespmem:$0x5580] =	vst v63  }
0x1c: {  	_ =	swait.ge [sflag:s15], $0xC80  }
0x1d: {  	[sflag:s15] =	ssyncset.done $0x0  }
0x1e: {  	[sflag:s15] =	ssyncadd.s32 $0xFFFFF380  }
0x1f: {  	[tilespmem:s17], [sflag:$0x3] =	stream.linear.gather [hbm4b:s7+s3], $0xC80, $0x38;
	[tilespmem:$0x5580] =	vst v63  }
0x20: {  	_ =	swait.ge [sflag:s15], $0xC80  }
0x21: {  	[sflag:s15] =	ssyncset.done $0x0  }
0x22: {  	[sflag:s15] =	ssyncadd.s32 $0xFFFFF380  }
0x23: {  	[tilespmem:s18], [sflag:$0x1] =	stream.indirect.gather [hbm4b:s2+s21], $0x10, s3, s21, $0xb8;
	[tilespmem:$0x5580] =	vst v63  }
0x24: {  	_ = 	snop  }
0x25: {  	[tilespmem:s19], [sflag:$0x1] =	stream.indirect.gather [hbm4b:s2+s21], $0x10, s16, s21, $0xb8;
	[tilespmem:$0x5580] =	vst v63  }
0x26: {  	_ = 	snop  }
0x27: {  	[tilespmem:s20], [sflag:$0x1] =	stream.indirect.gather [hbm4b:s4+s21], $0x10, s17, s21, $0xb8;
	[tilespmem:$0x5580] =	vst v63  }
0x28: {  	_ = 	snop  }
0x29: {  	[tilespmem:s22], [sflag:$0x2] =	stream.indirect.gather [hbm4b:s2+s21], $0x10, s21, s21, $0xb8;
	[tilespmem:$0x5580] =	vst v63  }
0x2a: {  	s29 =	simm.s32 $0xD00  }
0x2b: {  	[tilespmem:s23], [sflag:$0x2] =	stream.indirect.gather [hbm4b:s2+s21], $0x10, s29, s21, $0xb8;
	[tilespmem:$0x5580] =	vst v63  }
0x2c: {  	s1 =	simm.s32 $0x1980  }
0x2d: {  	[tilespmem:s24], [sflag:$0x2] =	stream.indirect.gather [hbm4b:s4+s21], $0x10, s1, s21, $0xb8;
	[tilespmem:$0x5580] =	vst v63  }
0x2e: {  	_ =	swait.ge [sflag:s25], $0x800  }
0x2f: {  	[sflag:s25] =	ssyncset.done $0x0  }
0x30: {  	[sflag:s25] =	ssyncadd.s32 $0xFFFFF800  }
0x31: {  	_ =	swait.ge [sflag:s25], $0x800  }
0x32: {  	[sflag:s25] =	ssyncset.done $0x0  }
0x33: {  	[sflag:s25] =	ssyncadd.s32 $0xFFFFF800  }
0x34: {  	_ =	swait.ge [sflag:s25], $0x800  }
0x35: {  	s5 =	rddreg [dreg:$0x5];
	[sflag:s25] =	ssyncset.done $0x0  }
0x36: {  	[sflag:s25] =	ssyncadd.s32 $0xFFFFF800;
	s0 =	sadd.s32 $0x0, s5  }
0x37: {  	[hbm4b:s0+s3] =	stream.linear.scatter [tilespmem:s18], [sflag:$0x3], $0x800, $0x38;
	[tilespmem:$0x5580] =	vst v63  }
0x38: {  	_ =	swait.ge [sflag:s15], $0x800  }
0x39: {  	s1 =	rddreg [dreg:$0x4];
	[sflag:s15] =	ssyncset.done $0x0  }
0x3a: {  	[sflag:s15] =	ssyncadd.s32 $0xFFFFF800;
	s0 =	sadd.s32 $0x0, s1  }
0x3b: {  	[hbm4b:s0+s3] =	stream.linear.scatter [tilespmem:s19], [sflag:$0x3], $0x800, $0x38;
	[tilespmem:$0x5580] =	vst v63  }
0x3c: {  	_ =	swait.ge [sflag:s15], $0x800  }
0x3d: {  	s5 =	rddreg [dreg:$0x3];
	[sflag:s15] =	ssyncset.done $0x0  }
0x3e: {  	[sflag:s15] =	ssyncadd.s32 $0xFFFFF800;
	s0 =	sadd.s32 $0x0, s5  }
0x3f: {  	[hbm4b:s0+s3] =	stream.linear.scatter [tilespmem:s20], [sflag:$0x3], $0x800, $0x38;
	[tilespmem:$0x5580] =	vst v63  }
0x40: {  	_ =	swait.ge [sflag:s15], $0x800  }
0x41: {  	[sflag:s15] =	ssyncset.done $0x0  }
0x42: {  	s1 =	simm.s32 $0x100;
	[sflag:s15] =	ssyncadd.s32 $0xFFFFF800  }
0x43: {  	[tilespmem:s18], [sflag:$0x1] =	stream.indirect.gather [hbm4b:s2+s21], $0x10, s1, s21, $0xb8;
	[tilespmem:$0x5580] =	vst v63  }
0x44: {  	s5 =	simm.s32 $0xD80  }
0x45: {  	[tilespmem:s19], [sflag:$0x1] =	stream.indirect.gather [hbm4b:s2+s21], $0x10, s5, s21, $0xb8;
	[tilespmem:$0x5580] =	vst v63  }
0x46: {  	s1 =	simm.s32 $0x1A00  }
0x47: {  	[tilespmem:s20], [sflag:$0x1] =	stream.indirect.gather [hbm4b:s4+s21], $0x10, s1, s21, $0xb8;
	[tilespmem:$0x5580] =	vst v63  }
0x48: {  	_ =	swait.ge [sflag:s26], $0x800  }
0x49: {  	[sflag:s26] =	ssyncset.done $0x0  }
0x4a: {  	[sflag:s26] =	ssyncadd.s32 $0xFFFFF800  }
0x4b: {  	_ =	swait.ge [sflag:s26], $0x800  }
0x4c: {  	[sflag:s26] =	ssyncset.done $0x0  }
0x4d: {  	[sflag:s26] =	ssyncadd.s32 $0xFFFFF800  }
0x4e: {  	_ =	swait.ge [sflag:s26], $0x800  }
0x4f: {  	[sflag:s26] =	ssyncset.done $0x0  }
0x50: {  	s5 =	sadd.s32 $0x0, s12;
	[sflag:s26] =	ssyncadd.s32 $0xFFFFF800  }
0x51: {  	[hbm4b:s5+s3] =	stream.linear.scatter [tilespmem:s22], [sflag:$0x3], $0x800, $0x38;
	[tilespmem:$0x5580] =	vst v63  }
0x52: {  	_ =	swait.ge [sflag:s15], $0x800  }
0x53: {  	[sflag:s15] =	ssyncset.done $0x0  }
0x54: {  	s1 =	sadd.s32 $0x0, s13;
	[sflag:s15] =	ssyncadd.s32 $0xFFFFF800  }
0x55: {  	[hbm4b:s1+s3] =	stream.linear.scatter [tilespmem:s23], [sflag:$0x3], $0x800, $0x38;
	[tilespmem:$0x5580] =	vst v63  }
0x56: {  	_ =	swait.ge [sflag:s15], $0x800  }
0x57: {  	[sflag:s15] =	ssyncset.done $0x0  }
0x58: {  	s5 =	sadd.s32 $0x0, s14;
	[sflag:s15] =	ssyncadd.s32 $0xFFFFF800  }
0x59: {  	[hbm4b:s5+s3] =	stream.linear.scatter [tilespmem:s24], [sflag:$0x3], $0x800, $0x38;
	[tilespmem:$0x5580] =	vst v63  }
0x5a: {  	s30 =	simm.s32 $0x200;
	_ =	swait.ge [sflag:s15], $0x800  }
0x5b: {  	s31 =	simm.s32 $0x1A80;
	s1 =	simm.s32 $0x80;
	[sflag:s15] =	ssyncset.done $0x0  }
.LBB2_2:
0x5c: {  	[sflag:s15] =	ssyncadd.s32 $0xFFFFF800;
	s1 =	sadd.s32 $0x100, s1  }
0x5d: {  	[tilespmem:s22], [sflag:$0x2] =	stream.indirect.gather [hbm4b:s2+s21], $0x10, s1, s21, $0xb8;
	[tilespmem:$0x5580] =	vst v63  }
0x5e: {  	s29 =	sadd.s32 $0x100, s29  }
0x5f: {  	[tilespmem:s23], [sflag:$0x2] =	stream.indirect.gather [hbm4b:s2+s21], $0x10, s29, s21, $0xb8;
	[tilespmem:$0x5580] =	vst v63  }
0x60: {  	_ = 	snop  }
0x61: {  	[tilespmem:s24], [sflag:$0x2] =	stream.indirect.gather [hbm4b:s4+s21], $0x10, s31, s21, $0xb8;
	[tilespmem:$0x5580] =	vst v63  }
0x62: {  	_ =	swait.ge [sflag:s25], $0x800  }
0x63: {  	[sflag:s25] =	ssyncset.done $0x0  }
0x64: {  	[sflag:s25] =	ssyncadd.s32 $0xFFFFF800  }
0x65: {  	_ =	swait.ge [sflag:s25], $0x800  }
0x66: {  	[sflag:s25] =	ssyncset.done $0x0  }
0x67: {  	[sflag:s25] =	ssyncadd.s32 $0xFFFFF800  }
0x68: {  	_ =	swait.ge [sflag:s25], $0x800  }
0x69: {  	s0 =	smov.u32 s30;
	s5 =	rddreg [dreg:$0x5];
	[sflag:s25] =	ssyncset.done $0x0  }
0x6a: {  	[sflag:s25] =	ssyncadd.s32 $0xFFFFF800;
	s5 =	sadd.s32 s0, s5  }
0x6b: {  	[hbm4b:s5+s3] =	stream.linear.scatter [tilespmem:s18], [sflag:$0x3], $0x800, $0x38;
	[tilespmem:$0x5580] =	vst v63  }
0x6c: {  	_ =	swait.ge [sflag:s15], $0x800  }
0x6d: {  	s5 =	rddreg [dreg:$0x4];
	[sflag:s15] =	ssyncset.done $0x0  }
0x6e: {  	[sflag:s15] =	ssyncadd.s32 $0xFFFFF800;
	s5 =	sadd.s32 s0, s5  }
0x6f: {  	[hbm4b:s5+s3] =	stream.linear.scatter [tilespmem:s19], [sflag:$0x3], $0x800, $0x38;
	[tilespmem:$0x5580] =	vst v63  }
0x70: {  	_ =	swait.ge [sflag:s15], $0x800  }
0x71: {  	s5 =	rddreg [dreg:$0x3];
	[sflag:s15] =	ssyncset.done $0x0  }
0x72: {  	[sflag:s15] =	ssyncadd.s32 $0xFFFFF800;
	s5 =	sadd.s32 s0, s5  }
0x73: {  	[hbm4b:s5+s3] =	stream.linear.scatter [tilespmem:s20], [sflag:$0x3], $0x800, $0x38;
	[tilespmem:$0x5580] =	vst v63  }
0x74: {  	_ =	swait.ge [sflag:s15], $0x800  }
0x75: {  	[sflag:s15] =	ssyncset.done $0x0  }
0x76: {  	s5 =	sadd.s32 $0x80, s1;
	[sflag:s15] =	ssyncadd.s32 $0xFFFFF800  }
0x77: {  	[tilespmem:s18], [sflag:$0x1] =	stream.indirect.gather [hbm4b:s2+s21], $0x10, s5, s21, $0xb8;
	[tilespmem:$0x5580] =	vst v63  }
0x78: {  	s5 =	sadd.s32 $0x80, s29  }
0x79: {  	[tilespmem:s19], [sflag:$0x1] =	stream.indirect.gather [hbm4b:s2+s21], $0x10, s5, s21, $0xb8;
	[tilespmem:$0x5580] =	vst v63  }
0x7a: {  	s5 =	sadd.s32 $0x80, s31  }
0x7b: {  	[tilespmem:s20], [sflag:$0x1] =	stream.indirect.gather [hbm4b:s4+s21], $0x10, s5, s21, $0xb8;
	[tilespmem:$0x5580] =	vst v63  }
0x7c: {  	_ =	swait.ge [sflag:s26], $0x800  }
0x7d: {  	[sflag:s26] =	ssyncset.done $0x0  }
0x7e: {  	[sflag:s26] =	ssyncadd.s32 $0xFFFFF800  }
0x7f: {  	_ =	swait.ge [sflag:s26], $0x800  }
0x80: {  	[sflag:s26] =	ssyncset.done $0x0  }
0x81: {  	[sflag:s26] =	ssyncadd.s32 $0xFFFFF800  }
0x82: {  	_ =	swait.ge [sflag:s26], $0x800  }
0x83: {  	[sflag:s26] =	ssyncset.done $0x0  }
0x84: {  	s5 =	sadd.s32 s0, s12;
	[sflag:s26] =	ssyncadd.s32 $0xFFFFF800  }
0x85: {  	[hbm4b:s5+s3] =	stream.linear.scatter [tilespmem:s22], [sflag:$0x3], $0x800, $0x38;
	[tilespmem:$0x5580] =	vst v63  }
0x86: {  	_ =	swait.ge [sflag:s15], $0x800  }
0x87: {  	[sflag:s15] =	ssyncset.done $0x0  }
0x88: {  	s5 =	sadd.s32 s0, s13;
	[sflag:s15] =	ssyncadd.s32 $0xFFFFF800  }
0x89: {  	[hbm4b:s5+s3] =	stream.linear.scatter [tilespmem:s23], [sflag:$0x3], $0x800, $0x38;
	[tilespmem:$0x5580] =	vst v63  }
0x8a: {  	p0 =	sne.s32 s30, $0x1600;
	_ =	swait.ge [sflag:s15], $0x800  }
.Ltmp0:
0x8b: {  	[sflag:s15] =	ssyncset.done $0x0;
	(pc) =	sbr.rel @p0 .LBB2_2-.Ltmp0, $4  }
0x8c: {  	s0 =	sadd.s32 s0, s14;
	[sflag:s15] =	ssyncadd.s32 $0xFFFFF800  }
0x8d: {  	[hbm4b:s0+s3] =	stream.linear.scatter [tilespmem:s24], [sflag:$0x3], $0x800, $0x38;
	[tilespmem:$0x5580] =	vst v63  }
0x8e: {  	_ =	swait.ge [sflag:s15], $0x800  }
0x8f: {  	s30 =	sadd.s32 $0x200, s30;
	s31 =	sadd.s32 $0x100, s31;
	[sflag:s15] =	ssyncset.done $0x0  }
0x90: {  	[sflag:s15] =	ssyncadd.s32 $0xFFFFF800  }
0x91: {  	_ =	swait.ge [sflag:s25], $0x800  }
0x92: {  	[sflag:s25] =	ssyncset.done $0x0  }
0x93: {  	[sflag:s25] =	ssyncadd.s32 $0xFFFFF800  }
0x94: {  	_ =	swait.ge [sflag:s25], $0x800  }
0x95: {  	[sflag:s25] =	ssyncset.done $0x0  }
0x96: {  	[sflag:s25] =	ssyncadd.s32 $0xFFFFF800  }
0x97: {  	_ =	swait.ge [sflag:s25], $0x800  }
0x98: {  	[sflag:s25] =	ssyncset.done $0x0  }
0x99: {  	[sflag:s25] =	ssyncadd.s32 $0xFFFFF800  }
0x9a: {  	[hbm4b:s8+s3] =	stream.linear.scatter [tilespmem:s18], [sflag:$0x3], $0x800, $0x38;
	[tilespmem:$0x5580] =	vst v63  }
0x9b: {  	_ =	swait.ge [sflag:s15], $0x800  }
0x9c: {  	[sflag:s15] =	ssyncset.done $0x0  }
0x9d: {  	[sflag:s15] =	ssyncadd.s32 $0xFFFFF800  }
0x9e: {  	[hbm4b:s9+s3] =	stream.linear.scatter [tilespmem:s19], [sflag:$0x3], $0x800, $0x38;
	[tilespmem:$0x5580] =	vst v63  }
0x9f: {  	s28 =	sadd.s32 $0x1, s28;
	_ =	swait.ge [sflag:s15], $0x800  }
0xa0: {  	p0 =	sne.s32 s28, s11;
	[sflag:s15] =	ssyncset.done $0x0  }
.Ltmp1:
0xa1: {  	[sflag:s15] =	ssyncadd.s32 $0xFFFFF800;
	(pc) =	sbr.rel @p0 .LBB2_1-.Ltmp1, $4  }
0xa2: {  	[hbm4b:s10+s3] =	stream.linear.scatter [tilespmem:s20], [sflag:$0x3], $0x800, $0x38;
	[tilespmem:$0x5580] =	vst v63  }
0xa3: {  	_ =	swait.ge [sflag:s15], $0x800  }
0xa4: {  	[sflag:s15] =	ssyncset.done $0x0  }
0xa5: {  	[sflag:s15] =	ssyncadd.s32 $0xFFFFF800  }
0xa6: {  	_ =	sfence.sel $0x180000  }
0xa7: {  	[bflag:$0x0] =	sbarrier.arrive $0xFFFF  }
0xa8: {  	_ =	strace $0x90000050  }
0xa9: {  	s0 =	stileid.u32;
	[bflag:$0x2] =	sbarrier.arrive $0xFFFF  }
0xaa: {  	p0 =	sne.s32 s0, $0x0;
	s0 =	rddreg [dreg:$0x2]  }
0xab: {  	s0 =	sadd.s32 @!p0 $0x100000, s0  }
0xac: {  	[sflag:s0] =	ssyncadd.tile.s32 @!p0 $0x1;
	_ =	shalt  }
.Lfunc_end2:
_tile_overlayer_lowered:
.L_overlay_start_2:
0xad: {  	(tag) =	ssettag $0x2  }
0xae: {  	s0 =	rddreg [dreg:$0x0];
	s2 =	stileid.u32  }
0xaf: {  	s1 =	rddreg [dreg:$0x1];
	p0 =	sne.s32 s2, $0x0  }
0xb0: {  	s3 =	rddreg [dreg:$0x2];
	[bflag:$0x3] =	sbarrier.arrive $0xFFFF;
	s2 =	simm.s32 @!p0 $0x1C03  }
0xb1: {  	[timem:s3], [sflag:s2] =	dma.local @!p0 [hbm:s0], s1  }
0xb2: {  	s0 =	simm.s32 @!p0 $0x3  }
0xb3: {  	_ =	swait.ge @!p0 [sflag:s0], s1  }
0xb4: {  	s1 =	ssub.s32 @!p0 $0x0, s1;
	[sflag:s0] =	ssyncset.done @!p0 $0x0  }
0xb5: {  	[sflag:s0] =	ssyncadd.s32 @!p0 s1  }
0xb6: {  	[bflag:$0x3] =	sbarrier.arrive $0xFFFF  }
0xb7: {  	_ =	shalt  }

// kernel: kernel.9.cloned.1.call-start
scs
__scs_entry_jumppad:
0x0: {  	(pc) =	sbr.rel $0x88, $3  }
0x1: {  	(tag) =	ssettag $0x0;
	lr =	simm.s32 $0x1  }
0x2: {  	[smem:$0x3F94] =	sst lr;
	_ =	strace $0xD0000000  }
0x3: {  	_ = 	snop  }
0x4: {  	_ = 	snop  }
0x5: {  	_ = 	snop  }
0x6: {  	_ = 	snop  }
0x7: {  	_ = 	snop  }
__scs_overlays_trampoline_lowered:
0x8: {  	[smem:$0x3FA3] =	sst s0  }
0x9: {  	[smem:$0x3FA4] =	sst s1  }
0xa: {  	[smem:$0x3FA5] =	sst s2  }
0xb: {  	[smem:$0x3FA6] =	sst s3  }
0xc: {  	[smem:$0x3FA7] =	sst s4  }
0xd: {  	[smem:$0x3FA8] =	sst s5  }
0xe: {  	[smem:$0x3FA9] =	sst s6  }
0xf: {  	[smem:$0x3FAA] =	sst s7  }
0x10: {  	[smem:$0x3FAB] =	sst s8  }
0x11: {  	[smem:$0x3FAC] =	sst s9;
	s0 =	simm.s32 @!p0 $0x0  }
0x12: {  	s1 =	sld [smem:$0x3F92];
	s0 =	simm.s32 @p0 $0x1  }
0x13: {  	[smem:$0x3FAD] =	sst s0;
	s0 =	simm.s32 @!p1 $0x0  }
0x14: {  	s2 =	sld [smem:$0x3F91];
	s0 =	simm.s32 @p1 $0x1  }
0x15: {  	[smem:$0x3FAE] =	sst s0;
	s0 =	simm.s32 @!p2 $0x0  }
0x16: {  	s3 =	sld [smem:$0x3FDB];
	s0 =	simm.s32 @p2 $0x1  }
0x17: {  	s4 =	simm.s32 $0x1BF5;
	[smem:$0x3FB0] =	sst s0  }
0x18: {  	s0 =	sld [smem:$0x3F93];
	_ =	swait.ge [sflag:s4], $0x0  }
0x19: {  	s7 =	sld [smem:$0x3F94]  }
0x1a: {  	s8 =	sadd.s32 $0xFFFFE003, lr  }
0x1b: {  	s9 =	sadd.s32 $0xFFFFFEF7, lr;
	s5 =	simm.s32 $0xFFFFFFFF;
	p2 =	slt.u32 s8, $0xFFFFF086  }
0x1c: {  	p1 =	slt.u32 s9, $0xF7A;
	s5 =	simm.s32 @!p2 $0x0  }
0x1d: {  	s5 =	simm.s32 @p1 $0x1;
	p0 =	seq.s32 s7, s2  }
0x1e: {  	s7 =	smul.u32 @!p0 $0xF7A, s2;
	p2 =	seq.s32 @!p0 s5, $0x0  }
0x1f: {  	s9 =	smul.u32 $0xF7A, s1;
	s8 =	simm.s32 @!p0 $0x1BF5;
	p2 =	por !p2, p0  }
0x20: {  	[sflag:s8] =	ssyncset.s32 @!p0 $0xFFFFF086;
	s6 =	sadd.s32 @!p0 s3, s7;
	s7 =	simm.s32 @!p0 $0x108  }
0x21: {  	s3 =	sadd.s32 s3, s9;
	s6 =	sadd.s32 @!p0 $0x88, s6;
	s7 =	simm.s32 @p2 $0x1082  }
0x22: {  	[simem:s7], [sflag:s8] =	dma.local @!p0 [hbm:s6], $0xF7A  }
0x23: {  	s9 =	sor.u32 $0xD0000000, s2;
	s6 =	simm.s32 $0x108;
	_ =	swait.ge @!p0 [sflag:s8], $0x0  }
0x24: {  	s3 =	sadd.s32 $0x88, s3;
	s6 =	simm.s32 @!p1 $0x1082;
	[sflag:s4] =	ssyncset.s32 $0xFFFFF086  }
0x25: {  	[simem:s6], [sflag:s4] =	dma.local [hbm:s3], $0xF7A  }
0x26: {  	[smem:$0x3F94] =	sst s1;
	(tag) =	ssettag s2;
	_ =	strace s9  }
0x27: {  	s1 =	sld [smem:$0x3FA4]  }
0x28: {  	s2 =	sld [smem:$0x3FA5]  }
0x29: {  	s4 =	sld [smem:$0x3FA7]  }
0x2a: {  	p0 =	seq.s32 s5, $0x0;
	s5 =	sld [smem:$0x3FA8]  }
0x2b: {  	s6 =	sld [smem:$0x3FA9]  }
0x2c: {  	s7 =	sld [smem:$0x3FAA]  }
0x2d: {  	s3 =	simm.s32 $0x108;
	s8 =	sld [smem:$0x3FAB]  }
0x2e: {  	s3 =	simm.s32 @!p0 $0x1082;
	s9 =	sld [smem:$0x3FAC]  }
0x2f: {  	lr =	sadd.s32 s0, s3;
	s0 =	sld [smem:$0x3FA3]  }
0x30: {  	s3 =	sld [smem:$0x3FA6]  }
0x31: {  	[smem:$0x3FAF] =	sst s10  }
0x32: {  	s10 =	sld [smem:$0x3FAD];
	_ =	sdelay $0x3  }
0x33: {  	p0 =	seq.s32 s10, $0x1;
	s10 =	sld [smem:$0x3FAF];
	_ =	sdelay $0x3  }
0x34: {  	[smem:$0x3FAF] =	sst s10  }
0x35: {  	s10 =	sld [smem:$0x3FAE];
	_ =	sdelay $0x3  }
0x36: {  	p1 =	seq.s32 s10, $0x1;
	s10 =	sld [smem:$0x3FAF];
	_ =	sdelay $0x3  }
0x37: {  	[smem:$0x3FAF] =	sst s10  }
0x38: {  	s10 =	sld [smem:$0x3FB0]  }
0x39: {  	_ = 	snop;
	(pc) =	sbr.ind lr, $3  }
0x3a: {  	_ = 	snop  }
0x3b: {  	_ = 	snop  }
0x3c: {  	p2 =	seq.s32 s10, $0x1;
	s10 =	sld [smem:$0x3FAF]  }
0x3d: {  	_ =	shalt  }
0x3e: {  	_ =	shalt  }
0x3f: {  	_ =	shalt  }
0x40: {  	_ =	shalt  }
0x41: {  	_ =	shalt  }
0x42: {  	_ =	shalt  }
0x43: {  	_ =	shalt  }
0x44: {  	_ =	shalt  }
0x45: {  	_ =	shalt  }
0x46: {  	_ =	shalt  }
0x47: {  	_ =	shalt  }
0x48: {  	_ =	shalt  }
0x49: {  	_ =	shalt  }
0x4a: {  	_ =	shalt  }
0x4b: {  	_ =	shalt  }
0x4c: {  	_ =	shalt  }
0x4d: {  	_ =	shalt  }
0x4e: {  	_ =	shalt  }
0x4f: {  	_ =	shalt  }
0x50: {  	_ =	shalt  }
0x51: {  	_ =	shalt  }
0x52: {  	_ =	shalt  }
0x53: {  	_ =	shalt  }
0x54: {  	_ =	shalt  }
0x55: {  	_ =	shalt  }
0x56: {  	_ =	shalt  }
0x57: {  	_ =	shalt  }
0x58: {  	_ =	shalt  }
0x59: {  	_ =	shalt  }
0x5a: {  	_ =	shalt  }
0x5b: {  	_ =	shalt  }
0x5c: {  	_ =	shalt  }
0x5d: {  	_ =	shalt  }
0x5e: {  	_ =	shalt  }
0x5f: {  	_ =	shalt  }
0x60: {  	_ =	shalt  }
0x61: {  	_ =	shalt  }
0x62: {  	_ =	shalt  }
0x63: {  	_ =	shalt  }
0x64: {  	_ =	shalt  }
0x65: {  	_ =	shalt  }
0x66: {  	_ =	shalt  }
0x67: {  	_ =	shalt  }
0x68: {  	_ =	shalt  }
0x69: {  	_ =	shalt  }
0x6a: {  	_ =	shalt  }
0x6b: {  	_ =	shalt  }
0x6c: {  	_ =	shalt  }
0x6d: {  	_ =	shalt  }
0x6e: {  	_ =	shalt  }
0x6f: {  	_ =	shalt  }
0x70: {  	_ =	shalt  }
0x71: {  	_ =	shalt  }
0x72: {  	_ =	shalt  }
0x73: {  	_ =	shalt  }
0x74: {  	_ =	shalt  }
0x75: {  	_ =	shalt  }
0x76: {  	_ =	shalt  }
0x77: {  	_ =	shalt  }
0x78: {  	_ =	shalt  }
0x79: {  	_ =	shalt  }
0x7a: {  	_ =	shalt  }
0x7b: {  	_ =	shalt  }
0x7c: {  	_ =	shalt  }
0x7d: {  	_ =	shalt  }
0x7e: {  	_ =	shalt  }
0x7f: {  	_ =	shalt  }
0x80: {  	_ =	shalt  }
0x81: {  	_ =	shalt  }
0x82: {  	_ =	shalt  }
0x83: {  	_ =	shalt  }
0x84: {  	_ =	shalt  }
0x85: {  	_ =	shalt  }
0x86: {  	_ =	shalt  }
0x87: {  	_ =	shalt  }
.Lfunc_end0:
.L_simem_size_0:
called_computation_lowered:
.L_overlay_start_0:
0x88: {  	s2 =	sld [smem:$0x3FD9]  }
0x89: {  	s3 =	sld [smem:$0x3FFE];
	_ =	sdelay $0x1  }
0x8a: {  	s1 =	srdreg.scid  }
0x8b: {  	s0 =	sand.u32 $0x1, s1  }
0x8c: {  	s17 =	sshll.u32 s0, $0xA;
	s2 =	sadd.s32 s3, s2  }
0x8d: {  	s2 =	sadd.s32 s2, s17  }
0x8e: {  	[smem:$0x3FBB] =	sst s2  }
0x8f: {  	_ = 	snop  }
0x90: {  	s2 =	sld [smem:$0x3FC9];
	(tm) =	ssettm $0x1  }
0x91: {  	s18 =	sld [smem:$0x3FFB];
	_ =	sdelay $0x3  }
0x92: {  	_ =	strace s18  }
0x93: {  	s3 =	sld [smem:$0x3FFC];
	_ =	sdelay $0x3  }
0x94: {  	_ =	strace s3  }
0x95: {  	s3 =	sld [smem:$0x3FFD];
	_ =	sdelay $0x3  }
0x96: {  	_ =	strace s3  }
0x97: {  	_ =	strace $0x8FFFFFFF  }
0x98: {  	s19 =	sld [smem:$0x3FDB];
	_ =	sdelay $0x1  }
0x99: {  	s4 =	simm.s32 $_scs_section_size  }
0x9a: {  	s5 =	simm.s32 $_size__tile_overlayer_lowered;
	s6 =	simm.s32 $_tile_overlayer_lowered  }
0x9b: {  	s22 =	simm.s32 $0x1BFF;
	s21 =	sshll.u32 s6, $0x1;
	s3 =	sadd.s32 s4, s19  }
0x9c: {  	s7 =	simm.s32 $0x0;
	s20 =	sshll.u32 s5, $0x1;
	s5 =	sadd.s32 s21, s3  }
0x9d: {  	[timem:s7], [sflag:s22] =	dma.local [hbm:s5], s20  }
0x9e: {  	_ =	swait.ge [sflag:s22], s20  }
0x9f: {  	s4 =	ssub.s32 $0x0, s20;
	[sflag:s22] =	ssyncset.done $0x0  }
0xa0: {  	[sflag:s22] =	ssyncadd.s32 s4;
	_ =	sdelay $0x1  }
0xa1: {  	s23 =	simm.s32 $0x1B8B  }
0xa2: {  	_ =	swait.ge [sflag:s23], $0x1  }
0xa3: {  	[sflag:s23] =	ssyncset.done $0x0  }
0xa4: {  	s25 =	simm.s32 $0x1B8E;
	s24 =	sld [smem:$0x3FFE];
	[sflag:s23] =	ssyncadd.s32 $0xFFFFFFFF  }
0xa5: {  	s26 =	simm.s32 $execute0_lowered;
	[smem:$0x3FD2] =	sst s25  }
0xa6: {  	s5 =	sshll.u32 s26, $0x1;
	_ =	strace $0x80000046;
	[dreg:$0x1] =	wrdreg $0xFFFFFFFF  }
0xa7: {  	s28 =	simm.s32 $_size_execute0_lowered;
	s3 =	sadd.s32 s3, s5;
	[dreg:$0x0] =	wrdreg $0x0  }
0xa8: {  	s5 =	sshll.u32 s28, $0x1;
	[dreg:$0x2] =	wrdreg s3  }
0xa9: {  	[dreg:$0x3] =	wrdreg s5  }
0xaa: {  	[dreg:$0x4] =	wrdreg $0xC0  }
0xab: {  	_ =	task [dreg:s7], $0x5FFFF  }
0xac: {  	[dreg:$0x1] =	wrdreg $0xFFFFFFFF  }
0xad: {  	[dreg:$0x0] =	wrdreg $0x60  }
0xae: {  	[dreg:$0x2] =	wrdreg s2  }
0xaf: {  	[dreg:$0x3] =	wrdreg s24  }
0xb0: {  	[dreg:$0x4] =	wrdreg $0x9  }
0xb1: {  	_ =	task.clear_ibuf [dreg:s7], $0x5FFFF;
	_ =	strace $0x90000046  }
0xb2: {  	s29 =	simm.s32 $0x9;
	_ =	strace $0x80000048  }
0xb3: {  	_ =	swait.ge [sflag:s29], $0x1  }
0xb4: {  	[sflag:s29] =	ssyncadd.s32 $0xFFFFFFFF  }
0xb5: {  	_ =	strace $0x90000048  }
0xb6: {  	_ =	sfence  }
0xb7: {  	s30 =	sld [smem:$0x0];
	_ =	sdelay $0x2  }
0xb8: {  	s31 =	sshll.u32 s1, $0xD;
	s1 =	sshrl.u32 s1, $0x2  }
0xb9: {  	s3 =	sand.u32 $0x4000, s31;
	s1 =	sadd.s32 s1, s30  }
0xba: {  	s0 =	sor.u32 s3, s0;
	s1 =	sshll.u32 s1, $0x11  }
0xbb: {  	s0 =	sor.u32 s1, s0  }
0xbc: {  	s0 =	sadd.s32 $0x8F2B, s0  }
0xbd: {  	[sflag:s0] =	ssyncadd.remote.s32 $0x1  }
0xbe: {  	_ =	sfence.sel $0xFFFF  }
0xbf: {  	[dreg:$0x0] =	wrdreg $0xFFFFFFFF;
	(pc) =	sbr.abs _section_cstart, $3  }
0xc0: {  	[dreg:$0x1] =	wrdreg $0xFFFFFFFF  }
0xc1: {  	_ =	task.clear_ibuf [dreg:s7], $0x2FFFF;
	_ =	strace $0x9FFFFFFF  }
0xc2: {  	(tm) =	ssettm $0x7FFFFFFF  }
0xc3: {  	_ =	shalt  }
tec
execute0_lowered:
.L_overlay_start_1:
0x0: {  	(tag) =	ssettag $0x1  }
0x1: {  	s2 =	rddreg [dreg:$0x0]  }
0x2: {  	s4 =	rddreg [dreg:$0x1]  }
0x3: {  	s0 =	rddreg [dreg:$0x2];
	s5 =	srdreg.scid  }
0x4: {  	s1 =	stileid.u32;
	s3 =	simm.s32 $0x0;
	s15 =	simm.s32 $0x1  }
0x5: {  	s16 =	simm.s32 $0x2;
	s17 =	simm.s32 $0x9400;
	s18 =	simm.s32 $0x8  }
0x6: {  	s19 =	simm.s32 $0x9480;
	s20 =	simm.s32 $0x0;
	s12 =	smul.u32 $0x138800, s1  }
0x7: {  	s7 =	sand.u32 $0x1, s5;
	s24 =	sshll.u32 s1, $0x1;
	s14 =	smul.u32 $0x27100, s1  }
0x8: {  	[smem:$0x7FF] =	sst s3;
	s9 =	sadd.s32 $0x8200, s4;
	s13 =	smul.u32 $0x9C400, s7  }
0x9: {  	s11 =	sadd.s32 $0xD200, s4;
	s5 =	sor.u32 s7, s24;
	s28 =	smul.u32 $0x13880, s7  }
0xa: {  	_ =	strace $0x80000047;
	s6 =	ssub.s32 $0x2, s7;
	s8 =	smul.u32 $0x1388, s5  }
0xb: {  	s10 =	sshrl.u32 s6, $0x1;
	s5 =	smul.u32 $0x9C400, s5;
	s29 =	sadd.s32 s14, s11  }
0xc: {  	s14 =	simm.s32 $0x5400;
	s10 =	ssub.s32 s6, s10;
	s12 =	sadd.s32 s13, s12  }
0xd: {  	s31 =	sadd.s32 s28, s29;
	s13 =	simm.s32 $0x80;
	s25 =	sshrl.u32 s8, $0x3  }
0xe: {  	s5 =	sshrl.u32 s5, $0x3;
	s8 =	sadd.s32 $0x1380, s8;
	s30 =	sshrl.u32 s12, $0x3  }
0xf: {  	s12 =	simm.s32 $0x1400;
	s4 =	sadd.s32 s9, s25;
	s5 =	sadd.s32 s11, s5  }
0x10: {  	s26 =	sshrl.u32 s8, $0x3;
	s8 =	sshll.u32 s8, $0x4;
	s5 =	sadd.s32 $0x13000, s5  }
0x11: {  	s6 =	sadd.s32 s9, s26;
	s7 =	sadd.s32 s11, s8;
	s8 =	smax.u32 s10, $0x1  }
0x12: {  	s9 =	sadd.s32 s30, s11;
	s10 =	sadd.s32 $0x800, s31;
	s11 =	simm.s32 $0x3  }
.LBB2_1:
0x13: {  	[tilespmem:s3], [sflag:$0x3] =	stream.linear.gather [hbm4b:s4+s3], $0x1388, $0x38;
	[tilespmem:$0x9880] =	vst v63  }
0x14: {  	_ =	swait.ge [sflag:s11], $0x1388  }
0x15: {  	[sflag:s11] =	ssyncset.done $0x0  }
0x16: {  	[sflag:s11] =	ssyncadd.s32 $0xFFFFEC78  }
0x17: {  	[tilespmem:s12], [sflag:$0x1] =	stream.indirect.gather [hbm4b:s2+s13], $0x80, s3, s13, $0xb8;
	[tilespmem:$0x9880] =	vst v63  }
0x18: {  	_ = 	snop  }
0x19: {  	[tilespmem:s14], [sflag:$0x2] =	stream.indirect.gather [hbm4b:s2+s13], $0x80, s13, s13, $0xb8;
	[tilespmem:$0x9880] =	vst v63  }
0x1a: {  	_ =	swait.ge [sflag:s15], $0x4000  }
0x1b: {  	[sflag:s15] =	ssyncset.done $0x0  }
0x1c: {  	s21 =	sadd.s32 $0x0, s9;
	[sflag:s15] =	ssyncadd.s32 $0xFFFFC000  }
0x1d: {  	[hbm4b:s21+s3] =	stream.linear.scatter [tilespmem:s12], [sflag:$0x3], $0x4000, $0x38;
	[tilespmem:$0x9880] =	vst v63  }
0x1e: {  	_ =	swait.ge [sflag:s11], $0x4000  }
0x1f: {  	[sflag:s11] =	ssyncset.done $0x0  }
0x20: {  	s30 =	simm.s32 $0x100;
	[sflag:s11] =	ssyncadd.s32 $0xFFFFC000  }
0x21: {  	[tilespmem:s12], [sflag:$0x1] =	stream.indirect.gather [hbm4b:s2+s13], $0x80, s30, s13, $0xb8;
	[tilespmem:$0x9880] =	vst v63  }
0x22: {  	_ =	swait.ge [sflag:s16], $0x4000  }
0x23: {  	[sflag:s16] =	ssyncset.done $0x0  }
0x24: {  	s31 =	sadd.s32 $0x0, s10;
	[sflag:s16] =	ssyncadd.s32 $0xFFFFC000  }
0x25: {  	[hbm4b:s31+s3] =	stream.linear.scatter [tilespmem:s14], [sflag:$0x3], $0x4000, $0x38;
	[tilespmem:$0x9880] =	vst v63  }
0x26: {  	_ =	swait.ge [sflag:s11], $0x4000  }
0x27: {  	s22 =	simm.s32 $0x80;
	s21 =	simm.s32 $0x1000;
	[sflag:s11] =	ssyncset.done $0x0  }
.LBB2_2:
0x28: {  	p0 =	sne.s32 s21, $0x12000;
	[sflag:s11] =	ssyncadd.s32 $0xFFFFC000;
	s22 =	sadd.s32 $0x100, s22  }
0x29: {  	[tilespmem:s14], [sflag:$0x2] =	stream.indirect.gather [hbm4b:s2+s13], $0x80, s22, s13, $0xb8;
	[tilespmem:$0x9880] =	vst v63  }
0x2a: {  	s23 =	smov.u32 s21;
	s21 =	sadd.s32 $0x1000, s21;
	_ =	swait.ge [sflag:s15], $0x4000  }
0x2b: {  	[sflag:s15] =	ssyncset.done $0x0  }
0x2c: {  	s24 =	sadd.s32 s23, s9;
	[sflag:s15] =	ssyncadd.s32 $0xFFFFC000  }
0x2d: {  	[hbm4b:s24+s3] =	stream.linear.scatter [tilespmem:s12], [sflag:$0x3], $0x4000, $0x38;
	[tilespmem:$0x9880] =	vst v63  }
0x2e: {  	_ =	swait.ge [sflag:s11], $0x4000  }
0x2f: {  	[sflag:s11] =	ssyncset.done $0x0  }
0x30: {  	s24 =	sadd.s32 $0x80, s22;
	[sflag:s11] =	ssyncadd.s32 $0xFFFFC000  }
0x31: {  	[tilespmem:s12], [sflag:$0x1] =	stream.indirect.gather [hbm4b:s2+s13], $0x80, s24, s13, $0xb8;
	[tilespmem:$0x9880] =	vst v63  }
0x32: {  	_ =	swait.ge [sflag:s16], $0x4000  }
.Ltmp0:
0x33: {  	[sflag:s16] =	ssyncset.done $0x0;
	(pc) =	sbr.rel @p0 .LBB2_2-.Ltmp0, $4  }
0x34: {  	s23 =	sadd.s32 s23, s10;
	[sflag:s16] =	ssyncadd.s32 $0xFFFFC000  }
0x35: {  	[hbm4b:s23+s3] =	stream.linear.scatter [tilespmem:s14], [sflag:$0x3], $0x4000, $0x38;
	[tilespmem:$0x9880] =	vst v63  }
0x36: {  	_ =	swait.ge [sflag:s11], $0x4000  }
0x37: {  	[sflag:s11] =	ssyncset.done $0x0  }
0x38: {  	[sflag:s11] =	ssyncadd.s32 $0xFFFFC000  }
0x39: {  	_ =	swait.ge [sflag:s15], $0x4000  }
0x3a: {  	[sflag:s15] =	ssyncset.done $0x0  }
0x3b: {  	[sflag:s15] =	ssyncadd.s32 $0xFFFFC000  }
0x3c: {  	[hbm4b:s5+s3] =	stream.linear.scatter [tilespmem:s12], [sflag:$0x3], $0x4000, $0x38;
	[tilespmem:$0x9880] =	vst v63  }
0x3d: {  	_ =	swait.ge [sflag:s11], $0x4000  }
0x3e: {  	[sflag:s11] =	ssyncset.done $0x0  }
0x3f: {  	[sflag:s11] =	ssyncadd.s32 $0xFFFFC000  }
0x40: {  	[tilespmem:s17], [sflag:$0x3] =	stream.linear.gather [hbm4b:s6+s3], $0x8, $0x38;
	[tilespmem:$0x9880] =	vst v63  }
0x41: {  	_ =	swait.ge [sflag:s11], $0x8  }
0x42: {  	[sflag:s11] =	ssyncset.done $0x0  }
0x43: {  	[sflag:s11] =	ssyncadd.s32 $0xFFFFFFF8  }
0x44: {  	[tilespmem:s19], [sflag:$0x1] =	stream.indirect.gather [hbm4b:s2+s18], $0x80, s17, s18, $0xb8;
	[tilespmem:$0x9880] =	vst v63  }
0x45: {  	s20 =	sadd.s32 $0x1, s20;
	_ =	swait.ge [sflag:s15], $0x400  }
0x46: {  	p0 =	sne.s32 s20, s8;
	[sflag:s15] =	ssyncset.done $0x0  }
.Ltmp1:
0x47: {  	[sflag:s15] =	ssyncadd.s32 $0xFFFFFC00;
	(pc) =	sbr.rel @p0 .LBB2_1-.Ltmp1, $4  }
0x48: {  	[hbm4b:s7+s3] =	stream.linear.scatter [tilespmem:s19], [sflag:$0x3], $0x400, $0x38;
	[tilespmem:$0x9880] =	vst v63  }
0x49: {  	_ =	swait.ge [sflag:s11], $0x400  }
0x4a: {  	[sflag:s11] =	ssyncset.done $0x0  }
0x4b: {  	[sflag:s11] =	ssyncadd.s32 $0xFFFFFC00  }
0x4c: {  	_ =	sfence.sel $0x180000  }
0x4d: {  	[bflag:$0x0] =	sbarrier.arrive $0xFFFF  }
0x4e: {  	p0 =	sne.s32 s1, $0x0;
	_ =	strace $0x90000047  }
0x4f: {  	s0 =	sadd.s32 @!p0 $0x100000, s0;
	[bflag:$0x2] =	sbarrier.arrive $0xFFFF  }
0x50: {  	[sflag:s0] =	ssyncadd.tile.s32 @!p0 $0x1;
	_ =	shalt  }
.Lfunc_end2:
_tile_overlayer_lowered:
.L_overlay_start_2:
0x51: {  	(tag) =	ssettag $0x2  }
0x52: {  	s0 =	rddreg [dreg:$0x0];
	s2 =	stileid.u32  }
0x53: {  	s1 =	rddreg [dreg:$0x1];
	p0 =	sne.s32 s2, $0x0  }
0x54: {  	s3 =	rddreg [dreg:$0x2];
	[bflag:$0x3] =	sbarrier.arrive $0xFFFF;
	s2 =	simm.s32 @!p0 $0x1C03  }
0x55: {  	[timem:s3], [sflag:s2] =	dma.local @!p0 [hbm:s0], s1  }
0x56: {  	s0 =	simm.s32 @!p0 $0x3  }
0x57: {  	_ =	swait.ge @!p0 [sflag:s0], s1  }
0x58: {  	s1 =	ssub.s32 @!p0 $0x0, s1;
	[sflag:s0] =	ssyncset.done @!p0 $0x0  }
0x59: {  	[sflag:s0] =	ssyncadd.s32 @!p0 s1  }
0x5a: {  	[bflag:$0x3] =	sbarrier.arrive $0xFFFF  }
0x5b: {  	_ =	shalt  }

</sc_bundles>
